<compile_context>
chip_gen: v7x
topology: tpu7x:2x2x1
jax: 0.10.2.dev20260603
libtpu: 0.0.44.dev20260713+nightly
codegen_flags: <defaults>
</compile_context>

<pallas_src>
import functools

import jax
import jax.numpy as jnp
from jax import lax
from jax.experimental import pallas as pl
from jax.experimental.pallas import tpu as pltpu
from jax.experimental.pallas import tpu_sc as plsc

N_HIDDEN = 128
N_LABEL = 1000
SEQ = 200

_NS = 16
_L = 16
_IDX_PER_S = 16
_LBL_PER_S = 64
_NG = _LBL_PER_S // _L


def _sc_fused(idx, table, W, b):
    mesh = plsc.VectorSubcoreMesh(
        core_axis_name="c", subcore_axis_name="s", num_cores=1
    )

    @functools.partial(
        pl.kernel,
        mesh=mesh,
        out_type=jax.ShapeDtypeStruct((N_LABEL,), jnp.float32),
        compiler_params=pltpu.CompilerParams(needs_layout_passes=False),
        scratch_types=[
            pltpu.VMEM((_IDX_PER_S,), jnp.int32),
            pltpu.VMEM((_IDX_PER_S, N_HIDDEN), jnp.float32),
            pltpu.VMEM((N_HIDDEN,), jnp.float32),
            pltpu.VMEM((_NS, N_HIDDEN), jnp.float32),
            pltpu.VMEM((N_HIDDEN,), jnp.float32),
            pltpu.VMEM((_LBL_PER_S, N_HIDDEN), jnp.float32),
            pltpu.VMEM((_LBL_PER_S,), jnp.float32),
            pltpu.VMEM((_LBL_PER_S,), jnp.float32),
            pltpu.VMEM_SHARED((_NS, N_HIDDEN), jnp.float32),
            pltpu.SemaphoreType.DMA,
            pltpu.SemaphoreType.DMA,
            pltpu.SemaphoreType.DMA,
        ],
    )
    def k(idx_hbm, table_hbm, w_hbm, b_hbm, out_hbm,
          idx_v, rows_v, max_v, all_v, pool_v, w_v, b_v, out_v, shared,
          sem_g, sem_w, sem_b):
        s = lax.axis_index("s")

        lbase = jnp.minimum(s * _LBL_PER_S, N_LABEL - _LBL_PER_S)
        cp_w = pltpu.async_copy(w_hbm.at[pl.ds(lbase, _LBL_PER_S)], w_v, sem_w)
        cp_b = pltpu.async_copy(b_hbm.at[pl.ds(lbase, _LBL_PER_S)], b_v, sem_b)

        ibase = jnp.minimum(s * _IDX_PER_S, SEQ - _IDX_PER_S)
        pltpu.sync_copy(idx_hbm.at[pl.ds(ibase, _IDX_PER_S)], idx_v)
        half = _IDX_PER_S // 2
        cp_g0 = pltpu.async_copy(
            table_hbm.at[idx_v.at[pl.ds(0, half)]],
            rows_v.at[pl.ds(0, half)], sem_g)
        cp_g1 = pltpu.async_copy(
            table_hbm.at[idx_v.at[pl.ds(half, half)]],
            rows_v.at[pl.ds(half, half)], sem_g)

        cp_g0.wait()
        part0 = []
        for h in range(N_HIDDEN // _L):
            sl = pl.ds(h * _L, _L)
            m = rows_v[0, sl]
            for r in range(1, half):
                m = jnp.maximum(m, rows_v[r, sl])
            part0.append(m)
        cp_g1.wait()
        for h in range(N_HIDDEN // _L):
            sl = pl.ds(h * _L, _L)
            m = part0[h]
            for r in range(half, _IDX_PER_S):
                m = jnp.maximum(m, rows_v[r, sl])
            max_v[sl] = m

        pltpu.sync_copy(max_v, shared.at[s])
        plsc.subcore_barrier()
        pltpu.sync_copy(shared, all_v)
        for h in range(N_HIDDEN // _L):
            sl = pl.ds(h * _L, _L)
            m = all_v[0, sl]
            for r in range(1, _NS):
                m = jnp.maximum(m, all_v[r, sl])
            pool_v[sl] = m

        cp_w.wait()
        cp_b.wait()
        pvecs = [pool_v[pl.ds(h * _L, _L)] for h in range(N_HIDDEN // _L)]
        dnums = lax.GatherDimensionNumbers(
            offset_dims=(), collapsed_slice_dims=(0,), start_index_map=(0,))

        def _xshuf(v, d):
            idx = (lax.iota(jnp.int32, _L) ^ d).reshape(_L, 1)
            return lax.gather(
                v, idx, dnums, slice_sizes=(1,),
                mode=lax.GatherScatterMode.PROMISE_IN_BOUNDS)

        lane = lax.iota(jnp.int32, _L)

        def _label_body(j, carry):
            mask = lane == j
            out = []
            for g in range(_NG):
                lbl = g * _L + j
                acc = w_v[lbl, pl.ds(0, _L)] * pvecs[0]
                for h in range(1, N_HIDDEN // _L):
                    acc = acc + w_v[lbl, pl.ds(h * _L, _L)] * pvecs[h]
                for d in (1, 2, 4, 8):
                    acc = acc + _xshuf(acc, d)
                out.append(jnp.where(mask, acc, carry[g]))
            return tuple(out)

        zero = jnp.zeros((_L,), jnp.float32)
        res = lax.fori_loop(0, _L, _label_body, (zero,) * _NG)
        for g in range(_NG):
            out_v[pl.ds(g * _L, _L)] = res[g] + b_v[pl.ds(g * _L, _L)]
        pltpu.sync_copy(out_v, out_hbm.at[pl.ds(lbase, _LBL_PER_S)])

    return k(idx, table, W, b)


def kernel(x, table, W, b):
    idx = x.reshape(SEQ)
    logits = _sc_fused(idx, table, W, b)
    return logits.reshape(1, N_LABEL)

# --- scband reference (transcript-rebuilt; emitter-appended) ---
"""Pipeline reference for scband-model-76424648065049 (READ-ONLY COPY).

The authoritative reference and input builder live on the scoring server;
editing this copy changes nothing except your own understanding.
"""

import jax, jax.numpy as jnp
import numpy as np

N_EMBED = 1000000
N_HIDDEN = 128
N_LABEL = 1000
SEQ = 200


def setup_inputs(seed: int = 0) -> dict:
    key = jax.random.key(seed)
    k1, k2, k3 = jax.random.split(key, 3)
    x = jax.random.randint(k1, (1, SEQ), 0, N_EMBED, dtype=jnp.int32)
    table = jax.random.normal(k2, (N_EMBED, N_HIDDEN), dtype=jnp.float32)
    W = jax.random.normal(k3, (N_LABEL, N_HIDDEN), dtype=jnp.float32) * 0.02
    b = jnp.zeros((N_LABEL,), dtype=jnp.float32)
    return {"x": x, "table": table, "W": W, "b": b}


def reference(x, table, W, b):
    # embedding lookup: [1, SEQ] -> [1, SEQ, N_HIDDEN]
    emb = jnp.take(table, x, axis=0)
    # max_pool1d over the full sequence length (permute(0,2,1) then pool kernel=SEQ)
    pooled = jnp.max(emb, axis=1)  # [1, N_HIDDEN]
    pooled = pooled.reshape(1, N_HIDDEN)
    logit = pooled @ W.T + b  # [1, N_LABEL]
    return logit

if __name__ == "__main__":
    import jax
    _d = setup_inputs()
    print(jax.jit(kernel)(*tuple(_d.values())))

</pallas_src>

<mosaic_0001>
#map = affine_map<(d0, d1) -> (0)>
#map1 = affine_map<(d0, d1) -> (0, 0)>
module attributes {stable_mosaic.version = 14 : i64} {
  func.func @k(%arg0: i32, %arg1: i32, %arg2: memref<200xi32, #tpu.memory_space<hbm>>, %arg3: memref<1000000x128xf32, #tpu.memory_space<hbm>>, %arg4: memref<1000x128xf32, #tpu.memory_space<hbm>>, %arg5: memref<1000xf32, #tpu.memory_space<hbm>>, %arg6: memref<1000xf32, #tpu.memory_space<hbm>>, %arg7: memref<16xi32, #tpu.memory_space<vmem>>, %arg8: memref<16x128xf32, #tpu.memory_space<vmem>>, %arg9: memref<128xf32, #tpu.memory_space<vmem>>, %arg10: memref<16x128xf32, #tpu.memory_space<vmem>>, %arg11: memref<128xf32, #tpu.memory_space<vmem>>, %arg12: memref<64x128xf32, #tpu.memory_space<vmem>>, %arg13: memref<64xf32, #tpu.memory_space<vmem>>, %arg14: memref<64xf32, #tpu.memory_space<vmem>>, %arg15: memref<16x128xf32, #tpu.memory_space<vmem_shared>>, %arg16: memref<!tpu.dma_semaphore, #tpu.memory_space<semaphore_mem>>, %arg17: memref<!tpu.dma_semaphore, #tpu.memory_space<semaphore_mem>>, %arg18: memref<!tpu.dma_semaphore, #tpu.memory_space<semaphore_mem>>) attributes {dimension_semantics = [#tpu.dimension_semantics<core_parallel>, #tpu.dimension_semantics<subcore_parallel>], iteration_bounds = array<i64: 1, 16>, scalar_prefetch = 0 : i64, scratch_operands = 12 : i64, tpu.core_type = #tpu.core_type<sc_vector_subcore>, window_params = [{transform_indices = #map}, {transform_indices = #map1}, {transform_indices = #map1}, {transform_indices = #map}, {transform_indices = #map}]} {
    %mul3A = arith.constant 64 : i32
    %mul3A_0 = arith.muli %arg1, %mul3A : i32
    %min3A = arith.constant 936 : i32
    %min3A_1 = arith.minsi %mul3A_0, %min3A : i32
    %dma_start3A = arith.constant 0 : i32
    %dma_start3A_2 = tpu.memref_slice %arg4[%min3A_1, %dma_start3A] : memref<1000x128xf32, #tpu.memory_space<hbm>> -> memref<64x128xf32, #tpu.memory_space<hbm>>
    %dma_start3A_3 = arith.constant 0 : i32
    %dma_start3A_4 = tpu.memref_slice %arg4[%min3A_1, %dma_start3A_3] : memref<1000x128xf32, #tpu.memory_space<hbm>> -> memref<64x128xf32, #tpu.memory_space<hbm>>
    tpu.enqueue_dma source(%dma_start3A_4 : memref<64x128xf32, #tpu.memory_space<hbm>>) target(%arg12 : memref<64x128xf32, #tpu.memory_space<vmem>>) target_semaphore(%arg17 : memref<!tpu.dma_semaphore, #tpu.memory_space<semaphore_mem>>)
    %dma_start3A_5 = tpu.memref_slice %arg5[%min3A_1] : memref<1000xf32, #tpu.memory_space<hbm>> -> memref<64xf32, #tpu.memory_space<hbm>>
    %dma_start3A_6 = tpu.memref_slice %arg5[%min3A_1] : memref<1000xf32, #tpu.memory_space<hbm>> -> memref<64xf32, #tpu.memory_space<hbm>>
    tpu.enqueue_dma source(%dma_start3A_6 : memref<64xf32, #tpu.memory_space<hbm>>) target(%arg13 : memref<64xf32, #tpu.memory_space<vmem>>) target_semaphore(%arg18 : memref<!tpu.dma_semaphore, #tpu.memory_space<semaphore_mem>>)
    %mul3A_7 = arith.constant 16 : i32
    %mul3A_8 = arith.muli %arg1, %mul3A_7 : i32
    %min3A_9 = arith.constant 184 : i32
    %min3A_10 = arith.minsi %mul3A_8, %min3A_9 : i32
    "tpu.region"() ({
      %run_scoped3A = tpu.sem_alloc : memref<!tpu.dma_semaphore, #tpu.memory_space<semaphore_mem>>
      %dma_start3A_1382 = tpu.memref_slice %arg2[%min3A_10] : memref<200xi32, #tpu.memory_space<hbm>> -> memref<16xi32, #tpu.memory_space<hbm>>
      %dma_start3A_1383 = tpu.memref_slice %arg2[%min3A_10] : memref<200xi32, #tpu.memory_space<hbm>> -> memref<16xi32, #tpu.memory_space<hbm>>
      tpu.enqueue_dma source(%dma_start3A_1383 : memref<16xi32, #tpu.memory_space<hbm>>) target(%arg7 : memref<16xi32, #tpu.memory_space<vmem>>) target_semaphore(%run_scoped3A : memref<!tpu.dma_semaphore, #tpu.memory_space<semaphore_mem>>)
      %dma_wait3A_1384 = tpu.memref_slice %arg2[%min3A_10] : memref<200xi32, #tpu.memory_space<hbm>> -> memref<16xi32, #tpu.memory_space<hbm>>
      %dma_wait3A_1385 = tpu.memref_slice %arg2[%min3A_10] : memref<200xi32, #tpu.memory_space<hbm>> -> memref<16xi32, #tpu.memory_space<hbm>>
      tpu.wait_dma2 semaphore(%run_scoped3A : memref<!tpu.dma_semaphore, #tpu.memory_space<semaphore_mem>>) src(%dma_wait3A_1385 : memref<16xi32, #tpu.memory_space<hbm>>) dst(%arg7 : memref<16xi32, #tpu.memory_space<vmem>>)
      tpu.yield
    }) : () -> ()
    %dma_start3A_11 = arith.constant 0 : i32
    %dma_start3A_12 = arith.constant 0 : i32
    %dma_start3A_13 = tpu.memref_slice %arg8[%dma_start3A_11, %dma_start3A_12] : memref<16x128xf32, #tpu.memory_space<vmem>> -> memref<8x128xf32, #tpu.memory_space<vmem>>
    %dma_start3A_14 = arith.constant 0 : i32
    %dma_start3A_15 = tpu.memref_slice %arg7[%dma_start3A_14] : memref<16xi32, #tpu.memory_space<vmem>> -> memref<8xi32, #tpu.memory_space<vmem>>
    %dma_start3A_16 = arith.constant 0 : i32
    %dma_start3A_17 = arith.constant 0 : i32
    %dma_start3A_18 = tpu.memref_slice %arg3[%dma_start3A_16, %dma_start3A_17] : memref<1000000x128xf32, #tpu.memory_space<hbm>> -> memref<1000000x128xf32, #tpu.memory_space<hbm>>
    tpu.enqueue_indirect_dma source(%dma_start3A_18 : memref<1000000x128xf32, #tpu.memory_space<hbm>>) target(%dma_start3A_13 : memref<8x128xf32, #tpu.memory_space<vmem>>) offsets(%dma_start3A_15 : memref<8xi32, #tpu.memory_space<vmem>>) semaphore(%arg16 : memref<!tpu.dma_semaphore, #tpu.memory_space<semaphore_mem>>)
    %dma_start3A_19 = arith.constant 8 : i32
    %dma_start3A_20 = arith.constant 0 : i32
    %dma_start3A_21 = tpu.memref_slice %arg8[%dma_start3A_19, %dma_start3A_20] : memref<16x128xf32, #tpu.memory_space<vmem>> -> memref<8x128xf32, #tpu.memory_space<vmem>>
    %dma_start3A_22 = arith.constant 8 : i32
    %dma_start3A_23 = tpu.memref_slice %arg7[%dma_start3A_22] : memref<16xi32, #tpu.memory_space<vmem>> -> memref<8xi32, #tpu.memory_space<vmem>>
    %dma_start3A_24 = arith.constant 0 : i32
    %dma_start3A_25 = arith.constant 0 : i32
    %dma_start3A_26 = tpu.memref_slice %arg3[%dma_start3A_24, %dma_start3A_25] : memref<1000000x128xf32, #tpu.memory_space<hbm>> -> memref<1000000x128xf32, #tpu.memory_space<hbm>>
    tpu.enqueue_indirect_dma source(%dma_start3A_26 : memref<1000000x128xf32, #tpu.memory_space<hbm>>) target(%dma_start3A_21 : memref<8x128xf32, #tpu.memory_space<vmem>>) offsets(%dma_start3A_23 : memref<8xi32, #tpu.memory_space<vmem>>) semaphore(%arg16 : memref<!tpu.dma_semaphore, #tpu.memory_space<semaphore_mem>>)
    %dma_wait3A = arith.constant 0 : i32
    %dma_wait3A_27 = arith.constant 0 : i32
    %dma_wait3A_28 = tpu.memref_slice %arg8[%dma_wait3A, %dma_wait3A_27] : memref<16x128xf32, #tpu.memory_space<vmem>> -> memref<8x128xf32, #tpu.memory_space<vmem>>
    %dma_wait3A_29 = arith.constant 0 : i32
    %dma_wait3A_30 = tpu.memref_slice %arg7[%dma_wait3A_29] : memref<16xi32, #tpu.memory_space<vmem>> -> memref<8xi32, #tpu.memory_space<vmem>>
    %dma_wait3A_31 = arith.constant 0 : i32
    %dma_wait3A_32 = arith.constant 0 : i32
    %dma_wait3A_33 = tpu.memref_slice %arg3[%dma_wait3A_31, %dma_wait3A_32] : memref<1000000x128xf32, #tpu.memory_space<hbm>> -> memref<1000000x128xf32, #tpu.memory_space<hbm>>
    tpu.wait_indirect_dma semaphore(%arg16 : memref<!tpu.dma_semaphore, #tpu.memory_space<semaphore_mem>>) src(%dma_wait3A_33 : memref<1000000x128xf32, #tpu.memory_space<hbm>>) dst(%dma_wait3A_28 : memref<8x128xf32, #tpu.memory_space<vmem>>)
    %get3A = arith.constant 0 : i32
    %get3A_34 = arith.index_cast %get3A : i32 to index
    %get3A_35 = arith.constant 0 : index
    %get3A_36 = tpu.vector_load %arg8[%get3A_34, %get3A_35] {strides = array<i32>} : memref<16x128xf32, #tpu.memory_space<vmem>>, vector<16xf32>,
    %get3A_37 = arith.constant 1 : i32
    %get3A_38 = arith.index_cast %get3A_37 : i32 to index
    %get3A_39 = arith.constant 0 : index
    %get3A_40 = tpu.vector_load %arg8[%get3A_38, %get3A_39] {strides = array<i32>} : memref<16x128xf32, #tpu.memory_space<vmem>>, vector<16xf32>,
    %max3A = arith.maximumf %get3A_36, %get3A_40 : vector<16xf32>
    %get3A_41 = arith.constant 2 : i32
    %get3A_42 = arith.index_cast %get3A_41 : i32 to index
    %get3A_43 = arith.constant 0 : index
    %get3A_44 = tpu.vector_load %arg8[%get3A_42, %get3A_43] {strides = array<i32>} : memref<16x128xf32, #tpu.memory_space<vmem>>, vector<16xf32>,
    %max3A_45 = arith.maximumf %max3A, %get3A_44 : vector<16xf32>
    %get3A_46 = arith.constant 3 : i32
    %get3A_47 = arith.index_cast %get3A_46 : i32 to index
    %get3A_48 = arith.constant 0 : index
    %get3A_49 = tpu.vector_load %arg8[%get3A_47, %get3A_48] {strides = array<i32>} : memref<16x128xf32, #tpu.memory_space<vmem>>, vector<16xf32>,
    %max3A_50 = arith.maximumf %max3A_45, %get3A_49 : vector<16xf32>
    %get3A_51 = arith.constant 4 : i32
    %get3A_52 = arith.index_cast %get3A_51 : i32 to index
    %get3A_53 = arith.constant 0 : index
    %get3A_54 = tpu.vector_load %arg8[%get3A_52, %get3A_53] {strides = array<i32>} : memref<16x128xf32, #tpu.memory_space<vmem>>, vector<16xf32>,
    %max3A_55 = arith.maximumf %max3A_50, %get3A_54 : vector<16xf32>
    %get3A_56 = arith.constant 5 : i32
    %get3A_57 = arith.index_cast %get3A_56 : i32 to index
    %get3A_58 = arith.constant 0 : index
    %get3A_59 = tpu.vector_load %arg8[%get3A_57, %get3A_58] {strides = array<i32>} : memref<16x128xf32, #tpu.memory_space<vmem>>, vector<16xf32>,
    %max3A_60 = arith.maximumf %max3A_55, %get3A_59 : vector<16xf32>
    %get3A_61 = arith.constant 6 : i32
    %get3A_62 = arith.index_cast %get3A_61 : i32 to index
    %get3A_63 = arith.constant 0 : index
    %get3A_64 = tpu.vector_load %arg8[%get3A_62, %get3A_63] {strides = array<i32>} : memref<16x128xf32, #tpu.memory_space<vmem>>, vector<16xf32>,
    %max3A_65 = arith.maximumf %max3A_60, %get3A_64 : vector<16xf32>
    %get3A_66 = arith.constant 7 : i32
    %get3A_67 = arith.index_cast %get3A_66 : i32 to index
    %get3A_68 = arith.constant 0 : index
    %get3A_69 = tpu.vector_load %arg8[%get3A_67, %get3A_68] {strides = array<i32>} : memref<16x128xf32, #tpu.memory_space<vmem>>, vector<16xf32>,
    %max3A_70 = arith.maximumf %max3A_65, %get3A_69 : vector<16xf32>
    %get3A_71 = arith.constant 0 : i32
    %get3A_72 = arith.index_cast %get3A_71 : i32 to index
    %get3A_73 = arith.constant 16 : index
    %get3A_74 = tpu.vector_load %arg8[%get3A_72, %get3A_73] {strides = array<i32>} : memref<16x128xf32, #tpu.memory_space<vmem>>, vector<16xf32>,
    %get3A_75 = arith.constant 1 : i32
    %get3A_76 = arith.index_cast %get3A_75 : i32 to index
    %get3A_77 = arith.constant 16 : index
    %get3A_78 = tpu.vector_load %arg8[%get3A_76, %get3A_77] {strides = array<i32>} : memref<16x128xf32, #tpu.memory_space<vmem>>, vector<16xf32>,
    %max3A_79 = arith.maximumf %get3A_74, %get3A_78 : vector<16xf32>
    %get3A_80 = arith.constant 2 : i32
    %get3A_81 = arith.index_cast %get3A_80 : i32 to index
    %get3A_82 = arith.constant 16 : index
    %get3A_83 = tpu.vector_load %arg8[%get3A_81, %get3A_82] {strides = array<i32>} : memref<16x128xf32, #tpu.memory_space<vmem>>, vector<16xf32>,
    %max3A_84 = arith.maximumf %max3A_79, %get3A_83 : vector<16xf32>
    %get3A_85 = arith.constant 3 : i32
    %get3A_86 = arith.index_cast %get3A_85 : i32 to index
    %get3A_87 = arith.constant 16 : index
    %get3A_88 = tpu.vector_load %arg8[%get3A_86, %get3A_87] {strides = array<i32>} : memref<16x128xf32, #tpu.memory_space<vmem>>, vector<16xf32>,
    %max3A_89 = arith.maximumf %max3A_84, %get3A_88 : vector<16xf32>
    %get3A_90 = arith.constant 4 : i32
    %get3A_91 = arith.index_cast %get3A_90 : i32 to index
    %get3A_92 = arith.constant 16 : index
    %get3A_93 = tpu.vector_load %arg8[%get3A_91, %get3A_92] {strides = array<i32>} : memref<16x128xf32, #tpu.memory_space<vmem>>, vector<16xf32>,
    %max3A_94 = arith.maximumf %max3A_89, %get3A_93 : vector<16xf32>
    %get3A_95 = arith.constant 5 : i32
    %get3A_96 = arith.index_cast %get3A_95 : i32 to index
    %get3A_97 = arith.constant 16 : index
    %get3A_98 = tpu.vector_load %arg8[%get3A_96, %get3A_97] {strides = array<i32>} : memref<16x128xf32, #tpu.memory_space<vmem>>, vector<16xf32>,
    %max3A_99 = arith.maximumf %max3A_94, %get3A_98 : vector<16xf32>
    %get3A_100 = arith.constant 6 : i32
    %get3A_101 = arith.index_cast %get3A_100 : i32 to index
    %get3A_102 = arith.constant 16 : index
    %get3A_103 = tpu.vector_load %arg8[%get3A_101, %get3A_102] {strides = array<i32>} : memref<16x128xf32, #tpu.memory_space<vmem>>, vector<16xf32>,
    %max3A_104 = arith.maximumf %max3A_99, %get3A_103 : vector<16xf32>
    %get3A_105 = arith.constant 7 : i32
    %get3A_106 = arith.index_cast %get3A_105 : i32 to index
    %get3A_107 = arith.constant 16 : index
    %get3A_108 = tpu.vector_load %arg8[%get3A_106, %get3A_107] {strides = array<i32>} : memref<16x128xf32, #tpu.memory_space<vmem>>, vector<16xf32>,
    %max3A_109 = arith.maximumf %max3A_104, %get3A_108 : vector<16xf32>
    %get3A_110 = arith.constant 0 : i32
    %get3A_111 = arith.index_cast %get3A_110 : i32 to index
    %get3A_112 = arith.constant 32 : index
    %get3A_113 = tpu.vector_load %arg8[%get3A_111, %get3A_112] {strides = array<i32>} : memref<16x128xf32, #tpu.memory_space<vmem>>, vector<16xf32>,
    %get3A_114 = arith.constant 1 : i32
    %get3A_115 = arith.index_cast %get3A_114 : i32 to index
    %get3A_116 = arith.constant 32 : index
    %get3A_117 = tpu.vector_load %arg8[%get3A_115, %get3A_116] {strides = array<i32>} : memref<16x128xf32, #tpu.memory_space<vmem>>, vector<16xf32>,
    %max3A_118 = arith.maximumf %get3A_113, %get3A_117 : vector<16xf32>
    %get3A_119 = arith.constant 2 : i32
    %get3A_120 = arith.index_cast %get3A_119 : i32 to index
    %get3A_121 = arith.constant 32 : index
    %get3A_122 = tpu.vector_load %arg8[%get3A_120, %get3A_121] {strides = array<i32>} : memref<16x128xf32, #tpu.memory_space<vmem>>, vector<16xf32>,
    %max3A_123 = arith.maximumf %max3A_118, %get3A_122 : vector<16xf32>
    %get3A_124 = arith.constant 3 : i32
    %get3A_125 = arith.index_cast %get3A_124 : i32 to index
    %get3A_126 = arith.constant 32 : index
    %get3A_127 = tpu.vector_load %arg8[%get3A_125, %get3A_126] {strides = array<i32>} : memref<16x128xf32, #tpu.memory_space<vmem>>, vector<16xf32>,
    %max3A_128 = arith.maximumf %max3A_123, %get3A_127 : vector<16xf32>
    %get3A_129 = arith.constant 4 : i32
    %get3A_130 = arith.index_cast %get3A_129 : i32 to index
    %get3A_131 = arith.constant 32 : index
    %get3A_132 = tpu.vector_load %arg8[%get3A_130, %get3A_131] {strides = array<i32>} : memref<16x128xf32, #tpu.memory_space<vmem>>, vector<16xf32>,
    %max3A_133 = arith.maximumf %max3A_128, %get3A_132 : vector<16xf32>
    %get3A_134 = arith.constant 5 : i32
    %get3A_135 = arith.index_cast %get3A_134 : i32 to index
    %get3A_136 = arith.constant 32 : index
    %get3A_137 = tpu.vector_load %arg8[%get3A_135, %get3A_136] {strides = array<i32>} : memref<16x128xf32, #tpu.memory_space<vmem>>, vector<16xf32>,
    %max3A_138 = arith.maximumf %max3A_133, %get3A_137 : vector<16xf32>
    %get3A_139 = arith.constant 6 : i32
    %get3A_140 = arith.index_cast %get3A_139 : i32 to index
    %get3A_141 = arith.constant 32 : index
    %get3A_142 = tpu.vector_load %arg8[%get3A_140, %get3A_141] {strides = array<i32>} : memref<16x128xf32, #tpu.memory_space<vmem>>, vector<16xf32>,
    %max3A_143 = arith.maximumf %max3A_138, %get3A_142 : vector<16xf32>
    %get3A_144 = arith.constant 7 : i32
    %get3A_145 = arith.index_cast %get3A_144 : i32 to index
    %get3A_146 = arith.constant 32 : index
    %get3A_147 = tpu.vector_load %arg8[%get3A_145, %get3A_146] {strides = array<i32>} : memref<16x128xf32, #tpu.memory_space<vmem>>, vector<16xf32>,
    %max3A_148 = arith.maximumf %max3A_143, %get3A_147 : vector<16xf32>
    %get3A_149 = arith.constant 0 : i32
    %get3A_150 = arith.index_cast %get3A_149 : i32 to index
    %get3A_151 = arith.constant 48 : index
    %get3A_152 = tpu.vector_load %arg8[%get3A_150, %get3A_151] {strides = array<i32>} : memref<16x128xf32, #tpu.memory_space<vmem>>, vector<16xf32>,
    %get3A_153 = arith.constant 1 : i32
    %get3A_154 = arith.index_cast %get3A_153 : i32 to index
    %get3A_155 = arith.constant 48 : index
    %get3A_156 = tpu.vector_load %arg8[%get3A_154, %get3A_155] {strides = array<i32>} : memref<16x128xf32, #tpu.memory_space<vmem>>, vector<16xf32>,
    %max3A_157 = arith.maximumf %get3A_152, %get3A_156 : vector<16xf32>
    %get3A_158 = arith.constant 2 : i32
    %get3A_159 = arith.index_cast %get3A_158 : i32 to index
    %get3A_160 = arith.constant 48 : index
    %get3A_161 = tpu.vector_load %arg8[%get3A_159, %get3A_160] {strides = array<i32>} : memref<16x128xf32, #tpu.memory_space<vmem>>, vector<16xf32>,
    %max3A_162 = arith.maximumf %max3A_157, %get3A_161 : vector<16xf32>
    %get3A_163 = arith.constant 3 : i32
    %get3A_164 = arith.index_cast %get3A_163 : i32 to index
    %get3A_165 = arith.constant 48 : index
    %get3A_166 = tpu.vector_load %arg8[%get3A_164, %get3A_165] {strides = array<i32>} : memref<16x128xf32, #tpu.memory_space<vmem>>, vector<16xf32>,
    %max3A_167 = arith.maximumf %max3A_162, %get3A_166 : vector<16xf32>
    %get3A_168 = arith.constant 4 : i32
    %get3A_169 = arith.index_cast %get3A_168 : i32 to index
    %get3A_170 = arith.constant 48 : index
    %get3A_171 = tpu.vector_load %arg8[%get3A_169, %get3A_170] {strides = array<i32>} : memref<16x128xf32, #tpu.memory_space<vmem>>, vector<16xf32>,
    %max3A_172 = arith.maximumf %max3A_167, %get3A_171 : vector<16xf32>
    %get3A_173 = arith.constant 5 : i32
    %get3A_174 = arith.index_cast %get3A_173 : i32 to index
    %get3A_175 = arith.constant 48 : index
    %get3A_176 = tpu.vector_load %arg8[%get3A_174, %get3A_175] {strides = array<i32>} : memref<16x128xf32, #tpu.memory_space<vmem>>, vector<16xf32>,
    %max3A_177 = arith.maximumf %max3A_172, %get3A_176 : vector<16xf32>
    %get3A_178 = arith.constant 6 : i32
    %get3A_179 = arith.index_cast %get3A_178 : i32 to index
    %get3A_180 = arith.constant 48 : index
    %get3A_181 = tpu.vector_load %arg8[%get3A_179, %get3A_180] {strides = array<i32>} : memref<16x128xf32, #tpu.memory_space<vmem>>, vector<16xf32>,
    %max3A_182 = arith.maximumf %max3A_177, %get3A_181 : vector<16xf32>
    %get3A_183 = arith.constant 7 : i32
    %get3A_184 = arith.index_cast %get3A_183 : i32 to index
    %get3A_185 = arith.constant 48 : index
    %get3A_186 = tpu.vector_load %arg8[%get3A_184, %get3A_185] {strides = array<i32>} : memref<16x128xf32, #tpu.memory_space<vmem>>, vector<16xf32>,
    %max3A_187 = arith.maximumf %max3A_182, %get3A_186 : vector<16xf32>
    %get3A_188 = arith.constant 0 : i32
    %get3A_189 = arith.index_cast %get3A_188 : i32 to index
    %get3A_190 = arith.constant 64 : index
    %get3A_191 = tpu.vector_load %arg8[%get3A_189, %get3A_190] {strides = array<i32>} : memref<16x128xf32, #tpu.memory_space<vmem>>, vector<16xf32>,
    %get3A_192 = arith.constant 1 : i32
    %get3A_193 = arith.index_cast %get3A_192 : i32 to index
    %get3A_194 = arith.constant 64 : index
    %get3A_195 = tpu.vector_load %arg8[%get3A_193, %get3A_194] {strides = array<i32>} : memref<16x128xf32, #tpu.memory_space<vmem>>, vector<16xf32>,
    %max3A_196 = arith.maximumf %get3A_191, %get3A_195 : vector<16xf32>
    %get3A_197 = arith.constant 2 : i32
    %get3A_198 = arith.index_cast %get3A_197 : i32 to index
    %get3A_199 = arith.constant 64 : index
    %get3A_200 = tpu.vector_load %arg8[%get3A_198, %get3A_199] {strides = array<i32>} : memref<16x128xf32, #tpu.memory_space<vmem>>, vector<16xf32>,
    %max3A_201 = arith.maximumf %max3A_196, %get3A_200 : vector<16xf32>
    %get3A_202 = arith.constant 3 : i32
    %get3A_203 = arith.index_cast %get3A_202 : i32 to index
    %get3A_204 = arith.constant 64 : index
    %get3A_205 = tpu.vector_load %arg8[%get3A_203, %get3A_204] {strides = array<i32>} : memref<16x128xf32, #tpu.memory_space<vmem>>, vector<16xf32>,
    %max3A_206 = arith.maximumf %max3A_201, %get3A_205 : vector<16xf32>
    %get3A_207 = arith.constant 4 : i32
    %get3A_208 = arith.index_cast %get3A_207 : i32 to index
    %get3A_209 = arith.constant 64 : index
    %get3A_210 = tpu.vector_load %arg8[%get3A_208, %get3A_209] {strides = array<i32>} : memref<16x128xf32, #tpu.memory_space<vmem>>, vector<16xf32>,
    %max3A_211 = arith.maximumf %max3A_206, %get3A_210 : vector<16xf32>
    %get3A_212 = arith.constant 5 : i32
    %get3A_213 = arith.index_cast %get3A_212 : i32 to index
    %get3A_214 = arith.constant 64 : index
    %get3A_215 = tpu.vector_load %arg8[%get3A_213, %get3A_214] {strides = array<i32>} : memref<16x128xf32, #tpu.memory_space<vmem>>, vector<16xf32>,
    %max3A_216 = arith.maximumf %max3A_211, %get3A_215 : vector<16xf32>
    %get3A_217 = arith.constant 6 : i32
    %get3A_218 = arith.index_cast %get3A_217 : i32 to index
    %get3A_219 = arith.constant 64 : index
    %get3A_220 = tpu.vector_load %arg8[%get3A_218, %get3A_219] {strides = array<i32>} : memref<16x128xf32, #tpu.memory_space<vmem>>, vector<16xf32>,
    %max3A_221 = arith.maximumf %max3A_216, %get3A_220 : vector<16xf32>
    %get3A_222 = arith.constant 7 : i32
    %get3A_223 = arith.index_cast %get3A_222 : i32 to index
    %get3A_224 = arith.constant 64 : index
    %get3A_225 = tpu.vector_load %arg8[%get3A_223, %get3A_224] {strides = array<i32>} : memref<16x128xf32, #tpu.memory_space<vmem>>, vector<16xf32>,
    %max3A_226 = arith.maximumf %max3A_221, %get3A_225 : vector<16xf32>
    %get3A_227 = arith.constant 0 : i32
    %get3A_228 = arith.index_cast %get3A_227 : i32 to index
    %get3A_229 = arith.constant 80 : index
    %get3A_230 = tpu.vector_load %arg8[%get3A_228, %get3A_229] {strides = array<i32>} : memref<16x128xf32, #tpu.memory_space<vmem>>, vector<16xf32>,
    %get3A_231 = arith.constant 1 : i32
    %get3A_232 = arith.index_cast %get3A_231 : i32 to index
    %get3A_233 = arith.constant 80 : index
    %get3A_234 = tpu.vector_load %arg8[%get3A_232, %get3A_233] {strides = array<i32>} : memref<16x128xf32, #tpu.memory_space<vmem>>, vector<16xf32>,
    %max3A_235 = arith.maximumf %get3A_230, %get3A_234 : vector<16xf32>
    %get3A_236 = arith.constant 2 : i32
    %get3A_237 = arith.index_cast %get3A_236 : i32 to index
    %get3A_238 = arith.constant 80 : index
    %get3A_239 = tpu.vector_load %arg8[%get3A_237, %get3A_238] {strides = array<i32>} : memref<16x128xf32, #tpu.memory_space<vmem>>, vector<16xf32>,
    %max3A_240 = arith.maximumf %max3A_235, %get3A_239 : vector<16xf32>
    %get3A_241 = arith.constant 3 : i32
    %get3A_242 = arith.index_cast %get3A_241 : i32 to index
    %get3A_243 = arith.constant 80 : index
    %get3A_244 = tpu.vector_load %arg8[%get3A_242, %get3A_243] {strides = array<i32>} : memref<16x128xf32, #tpu.memory_space<vmem>>, vector<16xf32>,
    %max3A_245 = arith.maximumf %max3A_240, %get3A_244 : vector<16xf32>
    %get3A_246 = arith.constant 4 : i32
    %get3A_247 = arith.index_cast %get3A_246 : i32 to index
    %get3A_248 = arith.constant 80 : index
    %get3A_249 = tpu.vector_load %arg8[%get3A_247, %get3A_248] {strides = array<i32>} : memref<16x128xf32, #tpu.memory_space<vmem>>, vector<16xf32>,
    %max3A_250 = arith.maximumf %max3A_245, %get3A_249 : vector<16xf32>
    %get3A_251 = arith.constant 5 : i32
    %get3A_252 = arith.index_cast %get3A_251 : i32 to index
    %get3A_253 = arith.constant 80 : index
    %get3A_254 = tpu.vector_load %arg8[%get3A_252, %get3A_253] {strides = array<i32>} : memref<16x128xf32, #tpu.memory_space<vmem>>, vector<16xf32>,
    %max3A_255 = arith.maximumf %max3A_250, %get3A_254 : vector<16xf32>
    %get3A_256 = arith.constant 6 : i32
    %get3A_257 = arith.index_cast %get3A_256 : i32 to index
    %get3A_258 = arith.constant 80 : index
    %get3A_259 = tpu.vector_load %arg8[%get3A_257, %get3A_258] {strides = array<i32>} : memref<16x128xf32, #tpu.memory_space<vmem>>, vector<16xf32>,
    %max3A_260 = arith.maximumf %max3A_255, %get3A_259 : vector<16xf32>
    %get3A_261 = arith.constant 7 : i32
    %get3A_262 = arith.index_cast %get3A_261 : i32 to index
    %get3A_263 = arith.constant 80 : index
    %get3A_264 = tpu.vector_load %arg8[%get3A_262, %get3A_263] {strides = array<i32>} : memref<16x128xf32, #tpu.memory_space<vmem>>, vector<16xf32>,
    %max3A_265 = arith.maximumf %max3A_260, %get3A_264 : vector<16xf32>
    %get3A_266 = arith.constant 0 : i32
    %get3A_267 = arith.index_cast %get3A_266 : i32 to index
    %get3A_268 = arith.constant 96 : index
    %get3A_269 = tpu.vector_load %arg8[%get3A_267, %get3A_268] {strides = array<i32>} : memref<16x128xf32, #tpu.memory_space<vmem>>, vector<16xf32>,
    %get3A_270 = arith.constant 1 : i32
    %get3A_271 = arith.index_cast %get3A_270 : i32 to index
    %get3A_272 = arith.constant 96 : index
    %get3A_273 = tpu.vector_load %arg8[%get3A_271, %get3A_272] {strides = array<i32>} : memref<16x128xf32, #tpu.memory_space<vmem>>, vector<16xf32>,
    %max3A_274 = arith.maximumf %get3A_269, %get3A_273 : vector<16xf32>
    %get3A_275 = arith.constant 2 : i32
    %get3A_276 = arith.index_cast %get3A_275 : i32 to index
    %get3A_277 = arith.constant 96 : index
    %get3A_278 = tpu.vector_load %arg8[%get3A_276, %get3A_277] {strides = array<i32>} : memref<16x128xf32, #tpu.memory_space<vmem>>, vector<16xf32>,
    %max3A_279 = arith.maximumf %max3A_274, %get3A_278 : vector<16xf32>
    %get3A_280 = arith.constant 3 : i32
    %get3A_281 = arith.index_cast %get3A_280 : i32 to index
    %get3A_282 = arith.constant 96 : index
    %get3A_283 = tpu.vector_load %arg8[%get3A_281, %get3A_282] {strides = array<i32>} : memref<16x128xf32, #tpu.memory_space<vmem>>, vector<16xf32>,
    %max3A_284 = arith.maximumf %max3A_279, %get3A_283 : vector<16xf32>
    %get3A_285 = arith.constant 4 : i32
    %get3A_286 = arith.index_cast %get3A_285 : i32 to index
    %get3A_287 = arith.constant 96 : index
    %get3A_288 = tpu.vector_load %arg8[%get3A_286, %get3A_287] {strides = array<i32>} : memref<16x128xf32, #tpu.memory_space<vmem>>, vector<16xf32>,
    %max3A_289 = arith.maximumf %max3A_284, %get3A_288 : vector<16xf32>
    %get3A_290 = arith.constant 5 : i32
    %get3A_291 = arith.index_cast %get3A_290 : i32 to index
    %get3A_292 = arith.constant 96 : index
    %get3A_293 = tpu.vector_load %arg8[%get3A_291, %get3A_292] {strides = array<i32>} : memref<16x128xf32, #tpu.memory_space<vmem>>, vector<16xf32>,
    %max3A_294 = arith.maximumf %max3A_289, %get3A_293 : vector<16xf32>
    %get3A_295 = arith.constant 6 : i32
    %get3A_296 = arith.index_cast %get3A_295 : i32 to index
    %get3A_297 = arith.constant 96 : index
    %get3A_298 = tpu.vector_load %arg8[%get3A_296, %get3A_297] {strides = array<i32>} : memref<16x128xf32, #tpu.memory_space<vmem>>, vector<16xf32>,
    %max3A_299 = arith.maximumf %max3A_294, %get3A_298 : vector<16xf32>
    %get3A_300 = arith.constant 7 : i32
    %get3A_301 = arith.index_cast %get3A_300 : i32 to index
    %get3A_302 = arith.constant 96 : index
    %get3A_303 = tpu.vector_load %arg8[%get3A_301, %get3A_302] {strides = array<i32>} : memref<16x128xf32, #tpu.memory_space<vmem>>, vector<16xf32>,
    %max3A_304 = arith.maximumf %max3A_299, %get3A_303 : vector<16xf32>
    %get3A_305 = arith.constant 0 : i32
    %get3A_306 = arith.index_cast %get3A_305 : i32 to index
    %get3A_307 = arith.constant 112 : index
    %get3A_308 = tpu.vector_load %arg8[%get3A_306, %get3A_307] {strides = array<i32>} : memref<16x128xf32, #tpu.memory_space<vmem>>, vector<16xf32>,
    %get3A_309 = arith.constant 1 : i32
    %get3A_310 = arith.index_cast %get3A_309 : i32 to index
    %get3A_311 = arith.constant 112 : index
    %get3A_312 = tpu.vector_load %arg8[%get3A_310, %get3A_311] {strides = array<i32>} : memref<16x128xf32, #tpu.memory_space<vmem>>, vector<16xf32>,
    %max3A_313 = arith.maximumf %get3A_308, %get3A_312 : vector<16xf32>
    %get3A_314 = arith.constant 2 : i32
    %get3A_315 = arith.index_cast %get3A_314 : i32 to index
    %get3A_316 = arith.constant 112 : index
    %get3A_317 = tpu.vector_load %arg8[%get3A_315, %get3A_316] {strides = array<i32>} : memref<16x128xf32, #tpu.memory_space<vmem>>, vector<16xf32>,
    %max3A_318 = arith.maximumf %max3A_313, %get3A_317 : vector<16xf32>
    %get3A_319 = arith.constant 3 : i32
    %get3A_320 = arith.index_cast %get3A_319 : i32 to index
    %get3A_321 = arith.constant 112 : index
    %get3A_322 = tpu.vector_load %arg8[%get3A_320, %get3A_321] {strides = array<i32>} : memref<16x128xf32, #tpu.memory_space<vmem>>, vector<16xf32>,
    %max3A_323 = arith.maximumf %max3A_318, %get3A_322 : vector<16xf32>
    %get3A_324 = arith.constant 4 : i32
    %get3A_325 = arith.index_cast %get3A_324 : i32 to index
    %get3A_326 = arith.constant 112 : index
    %get3A_327 = tpu.vector_load %arg8[%get3A_325, %get3A_326] {strides = array<i32>} : memref<16x128xf32, #tpu.memory_space<vmem>>, vector<16xf32>,
    %max3A_328 = arith.maximumf %max3A_323, %get3A_327 : vector<16xf32>
    %get3A_329 = arith.constant 5 : i32
    %get3A_330 = arith.index_cast %get3A_329 : i32 to index
    %get3A_331 = arith.constant 112 : index
    %get3A_332 = tpu.vector_load %arg8[%get3A_330, %get3A_331] {strides = array<i32>} : memref<16x128xf32, #tpu.memory_space<vmem>>, vector<16xf32>,
    %max3A_333 = arith.maximumf %max3A_328, %get3A_332 : vector<16xf32>
    %get3A_334 = arith.constant 6 : i32
    %get3A_335 = arith.index_cast %get3A_334 : i32 to index
    %get3A_336 = arith.constant 112 : index
    %get3A_337 = tpu.vector_load %arg8[%get3A_335, %get3A_336] {strides = array<i32>} : memref<16x128xf32, #tpu.memory_space<vmem>>, vector<16xf32>,
    %max3A_338 = arith.maximumf %max3A_333, %get3A_337 : vector<16xf32>
    %get3A_339 = arith.constant 7 : i32
    %get3A_340 = arith.index_cast %get3A_339 : i32 to index
    %get3A_341 = arith.constant 112 : index
    %get3A_342 = tpu.vector_load %arg8[%get3A_340, %get3A_341] {strides = array<i32>} : memref<16x128xf32, #tpu.memory_space<vmem>>, vector<16xf32>,
    %max3A_343 = arith.maximumf %max3A_338, %get3A_342 : vector<16xf32>
    %dma_wait3A_344 = arith.constant 8 : i32
    %dma_wait3A_345 = arith.constant 0 : i32
    %dma_wait3A_346 = tpu.memref_slice %arg8[%dma_wait3A_344, %dma_wait3A_345] : memref<16x128xf32, #tpu.memory_space<vmem>> -> memref<8x128xf32, #tpu.memory_space<vmem>>
    %dma_wait3A_347 = arith.constant 8 : i32
    %dma_wait3A_348 = tpu.memref_slice %arg7[%dma_wait3A_347] : memref<16xi32, #tpu.memory_space<vmem>> -> memref<8xi32, #tpu.memory_space<vmem>>
    %dma_wait3A_349 = arith.constant 0 : i32
    %dma_wait3A_350 = arith.constant 0 : i32
    %dma_wait3A_351 = tpu.memref_slice %arg3[%dma_wait3A_349, %dma_wait3A_350] : memref<1000000x128xf32, #tpu.memory_space<hbm>> -> memref<1000000x128xf32, #tpu.memory_space<hbm>>
    tpu.wait_indirect_dma semaphore(%arg16 : memref<!tpu.dma_semaphore, #tpu.memory_space<semaphore_mem>>) src(%dma_wait3A_351 : memref<1000000x128xf32, #tpu.memory_space<hbm>>) dst(%dma_wait3A_346 : memref<8x128xf32, #tpu.memory_space<vmem>>)
    %get3A_352 = arith.constant 8 : i32
    %get3A_353 = arith.index_cast %get3A_352 : i32 to index
    %get3A_354 = arith.constant 0 : index
    %get3A_355 = tpu.vector_load %arg8[%get3A_353, %get3A_354] {strides = array<i32>} : memref<16x128xf32, #tpu.memory_space<vmem>>, vector<16xf32>,
    %max3A_356 = arith.maximumf %max3A_70, %get3A_355 : vector<16xf32>
    %get3A_357 = arith.constant 9 : i32
    %get3A_358 = arith.index_cast %get3A_357 : i32 to index
    %get3A_359 = arith.constant 0 : index
    %get3A_360 = tpu.vector_load %arg8[%get3A_358, %get3A_359] {strides = array<i32>} : memref<16x128xf32, #tpu.memory_space<vmem>>, vector<16xf32>,
    %max3A_361 = arith.maximumf %max3A_356, %get3A_360 : vector<16xf32>
    %get3A_362 = arith.constant 10 : i32
    %get3A_363 = arith.index_cast %get3A_362 : i32 to index
    %get3A_364 = arith.constant 0 : index
    %get3A_365 = tpu.vector_load %arg8[%get3A_363, %get3A_364] {strides = array<i32>} : memref<16x128xf32, #tpu.memory_space<vmem>>, vector<16xf32>,
    %max3A_366 = arith.maximumf %max3A_361, %get3A_365 : vector<16xf32>
    %get3A_367 = arith.constant 11 : i32
    %get3A_368 = arith.index_cast %get3A_367 : i32 to index
    %get3A_369 = arith.constant 0 : index
    %get3A_370 = tpu.vector_load %arg8[%get3A_368, %get3A_369] {strides = array<i32>} : memref<16x128xf32, #tpu.memory_space<vmem>>, vector<16xf32>,
    %max3A_371 = arith.maximumf %max3A_366, %get3A_370 : vector<16xf32>
    %get3A_372 = arith.constant 12 : i32
    %get3A_373 = arith.index_cast %get3A_372 : i32 to index
    %get3A_374 = arith.constant 0 : index
    %get3A_375 = tpu.vector_load %arg8[%get3A_373, %get3A_374] {strides = array<i32>} : memref<16x128xf32, #tpu.memory_space<vmem>>, vector<16xf32>,
    %max3A_376 = arith.maximumf %max3A_371, %get3A_375 : vector<16xf32>
    %get3A_377 = arith.constant 13 : i32
    %get3A_378 = arith.index_cast %get3A_377 : i32 to index
    %get3A_379 = arith.constant 0 : index
    %get3A_380 = tpu.vector_load %arg8[%get3A_378, %get3A_379] {strides = array<i32>} : memref<16x128xf32, #tpu.memory_space<vmem>>, vector<16xf32>,
    %max3A_381 = arith.maximumf %max3A_376, %get3A_380 : vector<16xf32>
    %get3A_382 = arith.constant 14 : i32
    %get3A_383 = arith.index_cast %get3A_382 : i32 to index
    %get3A_384 = arith.constant 0 : index
    %get3A_385 = tpu.vector_load %arg8[%get3A_383, %get3A_384] {strides = array<i32>} : memref<16x128xf32, #tpu.memory_space<vmem>>, vector<16xf32>,
    %max3A_386 = arith.maximumf %max3A_381, %get3A_385 : vector<16xf32>
    %get3A_387 = arith.constant 15 : i32
    %get3A_388 = arith.index_cast %get3A_387 : i32 to index
    %get3A_389 = arith.constant 0 : index
    %get3A_390 = tpu.vector_load %arg8[%get3A_388, %get3A_389] {strides = array<i32>} : memref<16x128xf32, #tpu.memory_space<vmem>>, vector<16xf32>,
    %max3A_391 = arith.maximumf %max3A_386, %get3A_390 : vector<16xf32>
    %swap3A = arith.constant 0 : index
    %swap3A_392 = tpu.vector_load %arg9[%swap3A] {strides = array<i32>} : memref<128xf32, #tpu.memory_space<vmem>>, vector<16xf32>,
    tpu.vector_store %arg9[%swap3A], %max3A_391 {strides = array<i32>} : memref<128xf32, #tpu.memory_space<vmem>>, vector<16xf32>,
    %get3A_393 = arith.constant 8 : i32
    %get3A_394 = arith.index_cast %get3A_393 : i32 to index
    %get3A_395 = arith.constant 16 : index
    %get3A_396 = tpu.vector_load %arg8[%get3A_394, %get3A_395] {strides = array<i32>} : memref<16x128xf32, #tpu.memory_space<vmem>>, vector<16xf32>,
    %max3A_397 = arith.maximumf %max3A_109, %get3A_396 : vector<16xf32>
    %get3A_398 = arith.constant 9 : i32
    %get3A_399 = arith.index_cast %get3A_398 : i32 to index
    %get3A_400 = arith.constant 16 : index
    %get3A_401 = tpu.vector_load %arg8[%get3A_399, %get3A_400] {strides = array<i32>} : memref<16x128xf32, #tpu.memory_space<vmem>>, vector<16xf32>,
    %max3A_402 = arith.maximumf %max3A_397, %get3A_401 : vector<16xf32>
    %get3A_403 = arith.constant 10 : i32
    %get3A_404 = arith.index_cast %get3A_403 : i32 to index
    %get3A_405 = arith.constant 16 : index
    %get3A_406 = tpu.vector_load %arg8[%get3A_404, %get3A_405] {strides = array<i32>} : memref<16x128xf32, #tpu.memory_space<vmem>>, vector<16xf32>,
    %max3A_407 = arith.maximumf %max3A_402, %get3A_406 : vector<16xf32>
    %get3A_408 = arith.constant 11 : i32
    %get3A_409 = arith.index_cast %get3A_408 : i32 to index
    %get3A_410 = arith.constant 16 : index
    %get3A_411 = tpu.vector_load %arg8[%get3A_409, %get3A_410] {strides = array<i32>} : memref<16x128xf32, #tpu.memory_space<vmem>>, vector<16xf32>,
    %max3A_412 = arith.maximumf %max3A_407, %get3A_411 : vector<16xf32>
    %get3A_413 = arith.constant 12 : i32
    %get3A_414 = arith.index_cast %get3A_413 : i32 to index
    %get3A_415 = arith.constant 16 : index
    %get3A_416 = tpu.vector_load %arg8[%get3A_414, %get3A_415] {strides = array<i32>} : memref<16x128xf32, #tpu.memory_space<vmem>>, vector<16xf32>,
    %max3A_417 = arith.maximumf %max3A_412, %get3A_416 : vector<16xf32>
    %get3A_418 = arith.constant 13 : i32
    %get3A_419 = arith.index_cast %get3A_418 : i32 to index
    %get3A_420 = arith.constant 16 : index
    %get3A_421 = tpu.vector_load %arg8[%get3A_419, %get3A_420] {strides = array<i32>} : memref<16x128xf32, #tpu.memory_space<vmem>>, vector<16xf32>,
    %max3A_422 = arith.maximumf %max3A_417, %get3A_421 : vector<16xf32>
    %get3A_423 = arith.constant 14 : i32
    %get3A_424 = arith.index_cast %get3A_423 : i32 to index
    %get3A_425 = arith.constant 16 : index
    %get3A_426 = tpu.vector_load %arg8[%get3A_424, %get3A_425] {strides = array<i32>} : memref<16x128xf32, #tpu.memory_space<vmem>>, vector<16xf32>,
    %max3A_427 = arith.maximumf %max3A_422, %get3A_426 : vector<16xf32>
    %get3A_428 = arith.constant 15 : i32
    %get3A_429 = arith.index_cast %get3A_428 : i32 to index
    %get3A_430 = arith.constant 16 : index
    %get3A_431 = tpu.vector_load %arg8[%get3A_429, %get3A_430] {strides = array<i32>} : memref<16x128xf32, #tpu.memory_space<vmem>>, vector<16xf32>,
    %max3A_432 = arith.maximumf %max3A_427, %get3A_431 : vector<16xf32>
    %swap3A_433 = arith.constant 16 : index
    %swap3A_434 = tpu.vector_load %arg9[%swap3A_433] {strides = array<i32>} : memref<128xf32, #tpu.memory_space<vmem>>, vector<16xf32>,
    tpu.vector_store %arg9[%swap3A_433], %max3A_432 {strides = array<i32>} : memref<128xf32, #tpu.memory_space<vmem>>, vector<16xf32>,
    %get3A_435 = arith.constant 8 : i32
    %get3A_436 = arith.index_cast %get3A_435 : i32 to index
    %get3A_437 = arith.constant 32 : index
    %get3A_438 = tpu.vector_load %arg8[%get3A_436, %get3A_437] {strides = array<i32>} : memref<16x128xf32, #tpu.memory_space<vmem>>, vector<16xf32>,
    %max3A_439 = arith.maximumf %max3A_148, %get3A_438 : vector<16xf32>
    %get3A_440 = arith.constant 9 : i32
    %get3A_441 = arith.index_cast %get3A_440 : i32 to index
    %get3A_442 = arith.constant 32 : index
    %get3A_443 = tpu.vector_load %arg8[%get3A_441, %get3A_442] {strides = array<i32>} : memref<16x128xf32, #tpu.memory_space<vmem>>, vector<16xf32>,
    %max3A_444 = arith.maximumf %max3A_439, %get3A_443 : vector<16xf32>
    %get3A_445 = arith.constant 10 : i32
    %get3A_446 = arith.index_cast %get3A_445 : i32 to index
    %get3A_447 = arith.constant 32 : index
    %get3A_448 = tpu.vector_load %arg8[%get3A_446, %get3A_447] {strides = array<i32>} : memref<16x128xf32, #tpu.memory_space<vmem>>, vector<16xf32>,
    %max3A_449 = arith.maximumf %max3A_444, %get3A_448 : vector<16xf32>
    %get3A_450 = arith.constant 11 : i32
    %get3A_451 = arith.index_cast %get3A_450 : i32 to index
    %get3A_452 = arith.constant 32 : index
    %get3A_453 = tpu.vector_load %arg8[%get3A_451, %get3A_452] {strides = array<i32>} : memref<16x128xf32, #tpu.memory_space<vmem>>, vector<16xf32>,
    %max3A_454 = arith.maximumf %max3A_449, %get3A_453 : vector<16xf32>
    %get3A_455 = arith.constant 12 : i32
    %get3A_456 = arith.index_cast %get3A_455 : i32 to index
    %get3A_457 = arith.constant 32 : index
    %get3A_458 = tpu.vector_load %arg8[%get3A_456, %get3A_457] {strides = array<i32>} : memref<16x128xf32, #tpu.memory_space<vmem>>, vector<16xf32>,
    %max3A_459 = arith.maximumf %max3A_454, %get3A_458 : vector<16xf32>
    %get3A_460 = arith.constant 13 : i32
    %get3A_461 = arith.index_cast %get3A_460 : i32 to index
    %get3A_462 = arith.constant 32 : index
    %get3A_463 = tpu.vector_load %arg8[%get3A_461, %get3A_462] {strides = array<i32>} : memref<16x128xf32, #tpu.memory_space<vmem>>, vector<16xf32>,
    %max3A_464 = arith.maximumf %max3A_459, %get3A_463 : vector<16xf32>
    %get3A_465 = arith.constant 14 : i32
    %get3A_466 = arith.index_cast %get3A_465 : i32 to index
    %get3A_467 = arith.constant 32 : index
    %get3A_468 = tpu.vector_load %arg8[%get3A_466, %get3A_467] {strides = array<i32>} : memref<16x128xf32, #tpu.memory_space<vmem>>, vector<16xf32>,
    %max3A_469 = arith.maximumf %max3A_464, %get3A_468 : vector<16xf32>
    %get3A_470 = arith.constant 15 : i32
    %get3A_471 = arith.index_cast %get3A_470 : i32 to index
    %get3A_472 = arith.constant 32 : index
    %get3A_473 = tpu.vector_load %arg8[%get3A_471, %get3A_472] {strides = array<i32>} : memref<16x128xf32, #tpu.memory_space<vmem>>, vector<16xf32>,
    %max3A_474 = arith.maximumf %max3A_469, %get3A_473 : vector<16xf32>
    %swap3A_475 = arith.constant 32 : index
    %swap3A_476 = tpu.vector_load %arg9[%swap3A_475] {strides = array<i32>} : memref<128xf32, #tpu.memory_space<vmem>>, vector<16xf32>,
    tpu.vector_store %arg9[%swap3A_475], %max3A_474 {strides = array<i32>} : memref<128xf32, #tpu.memory_space<vmem>>, vector<16xf32>,
    %get3A_477 = arith.constant 8 : i32
    %get3A_478 = arith.index_cast %get3A_477 : i32 to index
    %get3A_479 = arith.constant 48 : index
    %get3A_480 = tpu.vector_load %arg8[%get3A_478, %get3A_479] {strides = array<i32>} : memref<16x128xf32, #tpu.memory_space<vmem>>, vector<16xf32>,
    %max3A_481 = arith.maximumf %max3A_187, %get3A_480 : vector<16xf32>
    %get3A_482 = arith.constant 9 : i32
    %get3A_483 = arith.index_cast %get3A_482 : i32 to index
    %get3A_484 = arith.constant 48 : index
    %get3A_485 = tpu.vector_load %arg8[%get3A_483, %get3A_484] {strides = array<i32>} : memref<16x128xf32, #tpu.memory_space<vmem>>, vector<16xf32>,
    %max3A_486 = arith.maximumf %max3A_481, %get3A_485 : vector<16xf32>
    %get3A_487 = arith.constant 10 : i32
    %get3A_488 = arith.index_cast %get3A_487 : i32 to index
    %get3A_489 = arith.constant 48 : index
    %get3A_490 = tpu.vector_load %arg8[%get3A_488, %get3A_489] {strides = array<i32>} : memref<16x128xf32, #tpu.memory_space<vmem>>, vector<16xf32>,
    %max3A_491 = arith.maximumf %max3A_486, %get3A_490 : vector<16xf32>
    %get3A_492 = arith.constant 11 : i32
    %get3A_493 = arith.index_cast %get3A_492 : i32 to index
    %get3A_494 = arith.constant 48 : index
    %get3A_495 = tpu.vector_load %arg8[%get3A_493, %get3A_494] {strides = array<i32>} : memref<16x128xf32, #tpu.memory_space<vmem>>, vector<16xf32>,
    %max3A_496 = arith.maximumf %max3A_491, %get3A_495 : vector<16xf32>
    %get3A_497 = arith.constant 12 : i32
    %get3A_498 = arith.index_cast %get3A_497 : i32 to index
    %get3A_499 = arith.constant 48 : index
    %get3A_500 = tpu.vector_load %arg8[%get3A_498, %get3A_499] {strides = array<i32>} : memref<16x128xf32, #tpu.memory_space<vmem>>, vector<16xf32>,
    %max3A_501 = arith.maximumf %max3A_496, %get3A_500 : vector<16xf32>
    %get3A_502 = arith.constant 13 : i32
    %get3A_503 = arith.index_cast %get3A_502 : i32 to index
    %get3A_504 = arith.constant 48 : index
    %get3A_505 = tpu.vector_load %arg8[%get3A_503, %get3A_504] {strides = array<i32>} : memref<16x128xf32, #tpu.memory_space<vmem>>, vector<16xf32>,
    %max3A_506 = arith.maximumf %max3A_501, %get3A_505 : vector<16xf32>
    %get3A_507 = arith.constant 14 : i32
    %get3A_508 = arith.index_cast %get3A_507 : i32 to index
    %get3A_509 = arith.constant 48 : index
    %get3A_510 = tpu.vector_load %arg8[%get3A_508, %get3A_509] {strides = array<i32>} : memref<16x128xf32, #tpu.memory_space<vmem>>, vector<16xf32>,
    %max3A_511 = arith.maximumf %max3A_506, %get3A_510 : vector<16xf32>
    %get3A_512 = arith.constant 15 : i32
    %get3A_513 = arith.index_cast %get3A_512 : i32 to index
    %get3A_514 = arith.constant 48 : index
    %get3A_515 = tpu.vector_load %arg8[%get3A_513, %get3A_514] {strides = array<i32>} : memref<16x128xf32, #tpu.memory_space<vmem>>, vector<16xf32>,
    %max3A_516 = arith.maximumf %max3A_511, %get3A_515 : vector<16xf32>
    %swap3A_517 = arith.constant 48 : index
    %swap3A_518 = tpu.vector_load %arg9[%swap3A_517] {strides = array<i32>} : memref<128xf32, #tpu.memory_space<vmem>>, vector<16xf32>,
    tpu.vector_store %arg9[%swap3A_517], %max3A_516 {strides = array<i32>} : memref<128xf32, #tpu.memory_space<vmem>>, vector<16xf32>,
    %get3A_519 = arith.constant 8 : i32
    %get3A_520 = arith.index_cast %get3A_519 : i32 to index
    %get3A_521 = arith.constant 64 : index
    %get3A_522 = tpu.vector_load %arg8[%get3A_520, %get3A_521] {strides = array<i32>} : memref<16x128xf32, #tpu.memory_space<vmem>>, vector<16xf32>,
    %max3A_523 = arith.maximumf %max3A_226, %get3A_522 : vector<16xf32>
    %get3A_524 = arith.constant 9 : i32
    %get3A_525 = arith.index_cast %get3A_524 : i32 to index
    %get3A_526 = arith.constant 64 : index
    %get3A_527 = tpu.vector_load %arg8[%get3A_525, %get3A_526] {strides = array<i32>} : memref<16x128xf32, #tpu.memory_space<vmem>>, vector<16xf32>,
    %max3A_528 = arith.maximumf %max3A_523, %get3A_527 : vector<16xf32>
    %get3A_529 = arith.constant 10 : i32
    %get3A_530 = arith.index_cast %get3A_529 : i32 to index
    %get3A_531 = arith.constant 64 : index
    %get3A_532 = tpu.vector_load %arg8[%get3A_530, %get3A_531] {strides = array<i32>} : memref<16x128xf32, #tpu.memory_space<vmem>>, vector<16xf32>,
    %max3A_533 = arith.maximumf %max3A_528, %get3A_532 : vector<16xf32>
    %get3A_534 = arith.constant 11 : i32
    %get3A_535 = arith.index_cast %get3A_534 : i32 to index
    %get3A_536 = arith.constant 64 : index
    %get3A_537 = tpu.vector_load %arg8[%get3A_535, %get3A_536] {strides = array<i32>} : memref<16x128xf32, #tpu.memory_space<vmem>>, vector<16xf32>,
    %max3A_538 = arith.maximumf %max3A_533, %get3A_537 : vector<16xf32>
    %get3A_539 = arith.constant 12 : i32
    %get3A_540 = arith.index_cast %get3A_539 : i32 to index
    %get3A_541 = arith.constant 64 : index
    %get3A_542 = tpu.vector_load %arg8[%get3A_540, %get3A_541] {strides = array<i32>} : memref<16x128xf32, #tpu.memory_space<vmem>>, vector<16xf32>,
    %max3A_543 = arith.maximumf %max3A_538, %get3A_542 : vector<16xf32>
    %get3A_544 = arith.constant 13 : i32
    %get3A_545 = arith.index_cast %get3A_544 : i32 to index
    %get3A_546 = arith.constant 64 : index
    %get3A_547 = tpu.vector_load %arg8[%get3A_545, %get3A_546] {strides = array<i32>} : memref<16x128xf32, #tpu.memory_space<vmem>>, vector<16xf32>,
    %max3A_548 = arith.maximumf %max3A_543, %get3A_547 : vector<16xf32>
    %get3A_549 = arith.constant 14 : i32
    %get3A_550 = arith.index_cast %get3A_549 : i32 to index
    %get3A_551 = arith.constant 64 : index
    %get3A_552 = tpu.vector_load %arg8[%get3A_550, %get3A_551] {strides = array<i32>} : memref<16x128xf32, #tpu.memory_space<vmem>>, vector<16xf32>,
    %max3A_553 = arith.maximumf %max3A_548, %get3A_552 : vector<16xf32>
    %get3A_554 = arith.constant 15 : i32
    %get3A_555 = arith.index_cast %get3A_554 : i32 to index
    %get3A_556 = arith.constant 64 : index
    %get3A_557 = tpu.vector_load %arg8[%get3A_555, %get3A_556] {strides = array<i32>} : memref<16x128xf32, #tpu.memory_space<vmem>>, vector<16xf32>,
    %max3A_558 = arith.maximumf %max3A_553, %get3A_557 : vector<16xf32>
    %swap3A_559 = arith.constant 64 : index
    %swap3A_560 = tpu.vector_load %arg9[%swap3A_559] {strides = array<i32>} : memref<128xf32, #tpu.memory_space<vmem>>, vector<16xf32>,
    tpu.vector_store %arg9[%swap3A_559], %max3A_558 {strides = array<i32>} : memref<128xf32, #tpu.memory_space<vmem>>, vector<16xf32>,
    %get3A_561 = arith.constant 8 : i32
    %get3A_562 = arith.index_cast %get3A_561 : i32 to index
    %get3A_563 = arith.constant 80 : index
    %get3A_564 = tpu.vector_load %arg8[%get3A_562, %get3A_563] {strides = array<i32>} : memref<16x128xf32, #tpu.memory_space<vmem>>, vector<16xf32>,
    %max3A_565 = arith.maximumf %max3A_265, %get3A_564 : vector<16xf32>
    %get3A_566 = arith.constant 9 : i32
    %get3A_567 = arith.index_cast %get3A_566 : i32 to index
    %get3A_568 = arith.constant 80 : index
    %get3A_569 = tpu.vector_load %arg8[%get3A_567, %get3A_568] {strides = array<i32>} : memref<16x128xf32, #tpu.memory_space<vmem>>, vector<16xf32>,
    %max3A_570 = arith.maximumf %max3A_565, %get3A_569 : vector<16xf32>
    %get3A_571 = arith.constant 10 : i32
    %get3A_572 = arith.index_cast %get3A_571 : i32 to index
    %get3A_573 = arith.constant 80 : index
    %get3A_574 = tpu.vector_load %arg8[%get3A_572, %get3A_573] {strides = array<i32>} : memref<16x128xf32, #tpu.memory_space<vmem>>, vector<16xf32>,
    %max3A_575 = arith.maximumf %max3A_570, %get3A_574 : vector<16xf32>
    %get3A_576 = arith.constant 11 : i32
    %get3A_577 = arith.index_cast %get3A_576 : i32 to index
    %get3A_578 = arith.constant 80 : index
    %get3A_579 = tpu.vector_load %arg8[%get3A_577, %get3A_578] {strides = array<i32>} : memref<16x128xf32, #tpu.memory_space<vmem>>, vector<16xf32>,
    %max3A_580 = arith.maximumf %max3A_575, %get3A_579 : vector<16xf32>
    %get3A_581 = arith.constant 12 : i32
    %get3A_582 = arith.index_cast %get3A_581 : i32 to index
    %get3A_583 = arith.constant 80 : index
    %get3A_584 = tpu.vector_load %arg8[%get3A_582, %get3A_583] {strides = array<i32>} : memref<16x128xf32, #tpu.memory_space<vmem>>, vector<16xf32>,
    %max3A_585 = arith.maximumf %max3A_580, %get3A_584 : vector<16xf32>
    %get3A_586 = arith.constant 13 : i32
    %get3A_587 = arith.index_cast %get3A_586 : i32 to index
    %get3A_588 = arith.constant 80 : index
    %get3A_589 = tpu.vector_load %arg8[%get3A_587, %get3A_588] {strides = array<i32>} : memref<16x128xf32, #tpu.memory_space<vmem>>, vector<16xf32>,
    %max3A_590 = arith.maximumf %max3A_585, %get3A_589 : vector<16xf32>
    %get3A_591 = arith.constant 14 : i32
    %get3A_592 = arith.index_cast %get3A_591 : i32 to index
    %get3A_593 = arith.constant 80 : index
    %get3A_594 = tpu.vector_load %arg8[%get3A_592, %get3A_593] {strides = array<i32>} : memref<16x128xf32, #tpu.memory_space<vmem>>, vector<16xf32>,
    %max3A_595 = arith.maximumf %max3A_590, %get3A_594 : vector<16xf32>
    %get3A_596 = arith.constant 15 : i32
    %get3A_597 = arith.index_cast %get3A_596 : i32 to index
    %get3A_598 = arith.constant 80 : index
    %get3A_599 = tpu.vector_load %arg8[%get3A_597, %get3A_598] {strides = array<i32>} : memref<16x128xf32, #tpu.memory_space<vmem>>, vector<16xf32>,
    %max3A_600 = arith.maximumf %max3A_595, %get3A_599 : vector<16xf32>
    %swap3A_601 = arith.constant 80 : index
    %swap3A_602 = tpu.vector_load %arg9[%swap3A_601] {strides = array<i32>} : memref<128xf32, #tpu.memory_space<vmem>>, vector<16xf32>,
    tpu.vector_store %arg9[%swap3A_601], %max3A_600 {strides = array<i32>} : memref<128xf32, #tpu.memory_space<vmem>>, vector<16xf32>,
    %get3A_603 = arith.constant 8 : i32
    %get3A_604 = arith.index_cast %get3A_603 : i32 to index
    %get3A_605 = arith.constant 96 : index
    %get3A_606 = tpu.vector_load %arg8[%get3A_604, %get3A_605] {strides = array<i32>} : memref<16x128xf32, #tpu.memory_space<vmem>>, vector<16xf32>,
    %max3A_607 = arith.maximumf %max3A_304, %get3A_606 : vector<16xf32>
    %get3A_608 = arith.constant 9 : i32
    %get3A_609 = arith.index_cast %get3A_608 : i32 to index
    %get3A_610 = arith.constant 96 : index
    %get3A_611 = tpu.vector_load %arg8[%get3A_609, %get3A_610] {strides = array<i32>} : memref<16x128xf32, #tpu.memory_space<vmem>>, vector<16xf32>,
    %max3A_612 = arith.maximumf %max3A_607, %get3A_611 : vector<16xf32>
    %get3A_613 = arith.constant 10 : i32
    %get3A_614 = arith.index_cast %get3A_613 : i32 to index
    %get3A_615 = arith.constant 96 : index
    %get3A_616 = tpu.vector_load %arg8[%get3A_614, %get3A_615] {strides = array<i32>} : memref<16x128xf32, #tpu.memory_space<vmem>>, vector<16xf32>,
    %max3A_617 = arith.maximumf %max3A_612, %get3A_616 : vector<16xf32>
    %get3A_618 = arith.constant 11 : i32
    %get3A_619 = arith.index_cast %get3A_618 : i32 to index
    %get3A_620 = arith.constant 96 : index
    %get3A_621 = tpu.vector_load %arg8[%get3A_619, %get3A_620] {strides = array<i32>} : memref<16x128xf32, #tpu.memory_space<vmem>>, vector<16xf32>,
    %max3A_622 = arith.maximumf %max3A_617, %get3A_621 : vector<16xf32>
    %get3A_623 = arith.constant 12 : i32
    %get3A_624 = arith.index_cast %get3A_623 : i32 to index
    %get3A_625 = arith.constant 96 : index
    %get3A_626 = tpu.vector_load %arg8[%get3A_624, %get3A_625] {strides = array<i32>} : memref<16x128xf32, #tpu.memory_space<vmem>>, vector<16xf32>,
    %max3A_627 = arith.maximumf %max3A_622, %get3A_626 : vector<16xf32>
    %get3A_628 = arith.constant 13 : i32
    %get3A_629 = arith.index_cast %get3A_628 : i32 to index
    %get3A_630 = arith.constant 96 : index
    %get3A_631 = tpu.vector_load %arg8[%get3A_629, %get3A_630] {strides = array<i32>} : memref<16x128xf32, #tpu.memory_space<vmem>>, vector<16xf32>,
    %max3A_632 = arith.maximumf %max3A_627, %get3A_631 : vector<16xf32>
    %get3A_633 = arith.constant 14 : i32
    %get3A_634 = arith.index_cast %get3A_633 : i32 to index
    %get3A_635 = arith.constant 96 : index
    %get3A_636 = tpu.vector_load %arg8[%get3A_634, %get3A_635] {strides = array<i32>} : memref<16x128xf32, #tpu.memory_space<vmem>>, vector<16xf32>,
    %max3A_637 = arith.maximumf %max3A_632, %get3A_636 : vector<16xf32>
    %get3A_638 = arith.constant 15 : i32
    %get3A_639 = arith.index_cast %get3A_638 : i32 to index
    %get3A_640 = arith.constant 96 : index
    %get3A_641 = tpu.vector_load %arg8[%get3A_639, %get3A_640] {strides = array<i32>} : memref<16x128xf32, #tpu.memory_space<vmem>>, vector<16xf32>,
    %max3A_642 = arith.maximumf %max3A_637, %get3A_641 : vector<16xf32>
    %swap3A_643 = arith.constant 96 : index
    %swap3A_644 = tpu.vector_load %arg9[%swap3A_643] {strides = array<i32>} : memref<128xf32, #tpu.memory_space<vmem>>, vector<16xf32>,
    tpu.vector_store %arg9[%swap3A_643], %max3A_642 {strides = array<i32>} : memref<128xf32, #tpu.memory_space<vmem>>, vector<16xf32>,
    %get3A_645 = arith.constant 8 : i32
    %get3A_646 = arith.index_cast %get3A_645 : i32 to index
    %get3A_647 = arith.constant 112 : index
    %get3A_648 = tpu.vector_load %arg8[%get3A_646, %get3A_647] {strides = array<i32>} : memref<16x128xf32, #tpu.memory_space<vmem>>, vector<16xf32>,
    %max3A_649 = arith.maximumf %max3A_343, %get3A_648 : vector<16xf32>
    %get3A_650 = arith.constant 9 : i32
    %get3A_651 = arith.index_cast %get3A_650 : i32 to index
    %get3A_652 = arith.constant 112 : index
    %get3A_653 = tpu.vector_load %arg8[%get3A_651, %get3A_652] {strides = array<i32>} : memref<16x128xf32, #tpu.memory_space<vmem>>, vector<16xf32>,
    %max3A_654 = arith.maximumf %max3A_649, %get3A_653 : vector<16xf32>
    %get3A_655 = arith.constant 10 : i32
    %get3A_656 = arith.index_cast %get3A_655 : i32 to index
    %get3A_657 = arith.constant 112 : index
    %get3A_658 = tpu.vector_load %arg8[%get3A_656, %get3A_657] {strides = array<i32>} : memref<16x128xf32, #tpu.memory_space<vmem>>, vector<16xf32>,
    %max3A_659 = arith.maximumf %max3A_654, %get3A_658 : vector<16xf32>
    %get3A_660 = arith.constant 11 : i32
    %get3A_661 = arith.index_cast %get3A_660 : i32 to index
    %get3A_662 = arith.constant 112 : index
    %get3A_663 = tpu.vector_load %arg8[%get3A_661, %get3A_662] {strides = array<i32>} : memref<16x128xf32, #tpu.memory_space<vmem>>, vector<16xf32>,
    %max3A_664 = arith.maximumf %max3A_659, %get3A_663 : vector<16xf32>
    %get3A_665 = arith.constant 12 : i32
    %get3A_666 = arith.index_cast %get3A_665 : i32 to index
    %get3A_667 = arith.constant 112 : index
    %get3A_668 = tpu.vector_load %arg8[%get3A_666, %get3A_667] {strides = array<i32>} : memref<16x128xf32, #tpu.memory_space<vmem>>, vector<16xf32>,
    %max3A_669 = arith.maximumf %max3A_664, %get3A_668 : vector<16xf32>
    %get3A_670 = arith.constant 13 : i32
    %get3A_671 = arith.index_cast %get3A_670 : i32 to index
    %get3A_672 = arith.constant 112 : index
    %get3A_673 = tpu.vector_load %arg8[%get3A_671, %get3A_672] {strides = array<i32>} : memref<16x128xf32, #tpu.memory_space<vmem>>, vector<16xf32>,
    %max3A_674 = arith.maximumf %max3A_669, %get3A_673 : vector<16xf32>
    %get3A_675 = arith.constant 14 : i32
    %get3A_676 = arith.index_cast %get3A_675 : i32 to index
    %get3A_677 = arith.constant 112 : index
    %get3A_678 = tpu.vector_load %arg8[%get3A_676, %get3A_677] {strides = array<i32>} : memref<16x128xf32, #tpu.memory_space<vmem>>, vector<16xf32>,
    %max3A_679 = arith.maximumf %max3A_674, %get3A_678 : vector<16xf32>
    %get3A_680 = arith.constant 15 : i32
    %get3A_681 = arith.index_cast %get3A_680 : i32 to index
    %get3A_682 = arith.constant 112 : index
    %get3A_683 = tpu.vector_load %arg8[%get3A_681, %get3A_682] {strides = array<i32>} : memref<16x128xf32, #tpu.memory_space<vmem>>, vector<16xf32>,
    %max3A_684 = arith.maximumf %max3A_679, %get3A_683 : vector<16xf32>
    %swap3A_685 = arith.constant 112 : index
    %swap3A_686 = tpu.vector_load %arg9[%swap3A_685] {strides = array<i32>} : memref<128xf32, #tpu.memory_space<vmem>>, vector<16xf32>,
    tpu.vector_store %arg9[%swap3A_685], %max3A_684 {strides = array<i32>} : memref<128xf32, #tpu.memory_space<vmem>>, vector<16xf32>,
    "tpu.region"() ({
      %run_scoped3A = tpu.sem_alloc : memref<!tpu.dma_semaphore, #tpu.memory_space<semaphore_mem>>
      %dma_start3A_1382 = arith.constant 0 : i32
      %dma_start3A_1383 = tpu.memref_slice %arg15[%arg1, %dma_start3A_1382] : memref<16x128xf32, #tpu.memory_space<vmem_shared>> -> memref<1x128xf32, #tpu.memory_space<vmem_shared>>
      %dma_start3A_1384 = tpu.memref_squeeze %dma_start3A_1383 : memref<1x128xf32, #tpu.memory_space<vmem_shared>> -> memref<128xf32, #tpu.memory_space<vmem_shared>>
      %dma_start3A_1385 = arith.constant 0 : i32
      %dma_start3A_1386 = tpu.memref_slice %arg15[%arg1, %dma_start3A_1385] : memref<16x128xf32, #tpu.memory_space<vmem_shared>> -> memref<1x128xf32, #tpu.memory_space<vmem_shared>>
      %dma_start3A_1387 = tpu.memref_squeeze %dma_start3A_1386 : memref<1x128xf32, #tpu.memory_space<vmem_shared>> -> memref<128xf32, #tpu.memory_space<vmem_shared>>
      tpu.enqueue_dma source(%arg9 : memref<128xf32, #tpu.memory_space<vmem>>) target(%dma_start3A_1387 : memref<128xf32, #tpu.memory_space<vmem_shared>>) target_semaphore(%run_scoped3A : memref<!tpu.dma_semaphore, #tpu.memory_space<semaphore_mem>>)
      %dma_wait3A_1388 = arith.constant 0 : i32
      %dma_wait3A_1389 = tpu.memref_slice %arg15[%arg1, %dma_wait3A_1388] : memref<16x128xf32, #tpu.memory_space<vmem_shared>> -> memref<1x128xf32, #tpu.memory_space<vmem_shared>>
      %dma_wait3A_1390 = tpu.memref_squeeze %dma_wait3A_1389 : memref<1x128xf32, #tpu.memory_space<vmem_shared>> -> memref<128xf32, #tpu.memory_space<vmem_shared>>
      %dma_wait3A_1391 = arith.constant 0 : i32
      %dma_wait3A_1392 = tpu.memref_slice %arg15[%arg1, %dma_wait3A_1391] : memref<16x128xf32, #tpu.memory_space<vmem_shared>> -> memref<1x128xf32, #tpu.memory_space<vmem_shared>>
      %dma_wait3A_1393 = tpu.memref_squeeze %dma_wait3A_1392 : memref<1x128xf32, #tpu.memory_space<vmem_shared>> -> memref<128xf32, #tpu.memory_space<vmem_shared>>
      tpu.wait_dma2 semaphore(%run_scoped3A : memref<!tpu.dma_semaphore, #tpu.memory_space<semaphore_mem>>) src(%arg9 : memref<128xf32, #tpu.memory_space<vmem>>) dst(%dma_wait3A_1393 : memref<128xf32, #tpu.memory_space<vmem_shared>>)
      tpu.yield
    }) : () -> ()
    %barrier3A = arith.constant 0 : index
    tpu.barrier barrier_id(%barrier3A)
    "tpu.region"() ({
      %run_scoped3A = tpu.sem_alloc : memref<!tpu.dma_semaphore, #tpu.memory_space<semaphore_mem>>
      tpu.enqueue_dma source(%arg15 : memref<16x128xf32, #tpu.memory_space<vmem_shared>>) target(%arg10 : memref<16x128xf32, #tpu.memory_space<vmem>>) target_semaphore(%run_scoped3A : memref<!tpu.dma_semaphore, #tpu.memory_space<semaphore_mem>>)
      tpu.wait_dma2 semaphore(%run_scoped3A : memref<!tpu.dma_semaphore, #tpu.memory_space<semaphore_mem>>) src(%arg15 : memref<16x128xf32, #tpu.memory_space<vmem_shared>>) dst(%arg10 : memref<16x128xf32, #tpu.memory_space<vmem>>)
      tpu.yield
    }) : () -> ()
    %get3A_687 = arith.constant 0 : i32
    %get3A_688 = arith.index_cast %get3A_687 : i32 to index
    %get3A_689 = arith.constant 0 : index
    %get3A_690 = tpu.vector_load %arg10[%get3A_688, %get3A_689] {strides = array<i32>} : memref<16x128xf32, #tpu.memory_space<vmem>>, vector<16xf32>,
    %get3A_691 = arith.constant 1 : i32
    %get3A_692 = arith.index_cast %get3A_691 : i32 to index
    %get3A_693 = arith.constant 0 : index
    %get3A_694 = tpu.vector_load %arg10[%get3A_692, %get3A_693] {strides = array<i32>} : memref<16x128xf32, #tpu.memory_space<vmem>>, vector<16xf32>,
    %max3A_695 = arith.maximumf %get3A_690, %get3A_694 : vector<16xf32>
    %get3A_696 = arith.constant 2 : i32
    %get3A_697 = arith.index_cast %get3A_696 : i32 to index
    %get3A_698 = arith.constant 0 : index
    %get3A_699 = tpu.vector_load %arg10[%get3A_697, %get3A_698] {strides = array<i32>} : memref<16x128xf32, #tpu.memory_space<vmem>>, vector<16xf32>,
    %max3A_700 = arith.maximumf %max3A_695, %get3A_699 : vector<16xf32>
    %get3A_701 = arith.constant 3 : i32
    %get3A_702 = arith.index_cast %get3A_701 : i32 to index
    %get3A_703 = arith.constant 0 : index
    %get3A_704 = tpu.vector_load %arg10[%get3A_702, %get3A_703] {strides = array<i32>} : memref<16x128xf32, #tpu.memory_space<vmem>>, vector<16xf32>,
    %max3A_705 = arith.maximumf %max3A_700, %get3A_704 : vector<16xf32>
    %get3A_706 = arith.constant 4 : i32
    %get3A_707 = arith.index_cast %get3A_706 : i32 to index
    %get3A_708 = arith.constant 0 : index
    %get3A_709 = tpu.vector_load %arg10[%get3A_707, %get3A_708] {strides = array<i32>} : memref<16x128xf32, #tpu.memory_space<vmem>>, vector<16xf32>,
    %max3A_710 = arith.maximumf %max3A_705, %get3A_709 : vector<16xf32>
    %get3A_711 = arith.constant 5 : i32
    %get3A_712 = arith.index_cast %get3A_711 : i32 to index
    %get3A_713 = arith.constant 0 : index
    %get3A_714 = tpu.vector_load %arg10[%get3A_712, %get3A_713] {strides = array<i32>} : memref<16x128xf32, #tpu.memory_space<vmem>>, vector<16xf32>,
    %max3A_715 = arith.maximumf %max3A_710, %get3A_714 : vector<16xf32>
    %get3A_716 = arith.constant 6 : i32
    %get3A_717 = arith.index_cast %get3A_716 : i32 to index
    %get3A_718 = arith.constant 0 : index
    %get3A_719 = tpu.vector_load %arg10[%get3A_717, %get3A_718] {strides = array<i32>} : memref<16x128xf32, #tpu.memory_space<vmem>>, vector<16xf32>,
    %max3A_720 = arith.maximumf %max3A_715, %get3A_719 : vector<16xf32>
    %get3A_721 = arith.constant 7 : i32
    %get3A_722 = arith.index_cast %get3A_721 : i32 to index
    %get3A_723 = arith.constant 0 : index
    %get3A_724 = tpu.vector_load %arg10[%get3A_722, %get3A_723] {strides = array<i32>} : memref<16x128xf32, #tpu.memory_space<vmem>>, vector<16xf32>,
    %max3A_725 = arith.maximumf %max3A_720, %get3A_724 : vector<16xf32>
    %get3A_726 = arith.constant 8 : i32
    %get3A_727 = arith.index_cast %get3A_726 : i32 to index
    %get3A_728 = arith.constant 0 : index
    %get3A_729 = tpu.vector_load %arg10[%get3A_727, %get3A_728] {strides = array<i32>} : memref<16x128xf32, #tpu.memory_space<vmem>>, vector<16xf32>,
    %max3A_730 = arith.maximumf %max3A_725, %get3A_729 : vector<16xf32>
    %get3A_731 = arith.constant 9 : i32
    %get3A_732 = arith.index_cast %get3A_731 : i32 to index
    %get3A_733 = arith.constant 0 : index
    %get3A_734 = tpu.vector_load %arg10[%get3A_732, %get3A_733] {strides = array<i32>} : memref<16x128xf32, #tpu.memory_space<vmem>>, vector<16xf32>,
    %max3A_735 = arith.maximumf %max3A_730, %get3A_734 : vector<16xf32>
    %get3A_736 = arith.constant 10 : i32
    %get3A_737 = arith.index_cast %get3A_736 : i32 to index
    %get3A_738 = arith.constant 0 : index
    %get3A_739 = tpu.vector_load %arg10[%get3A_737, %get3A_738] {strides = array<i32>} : memref<16x128xf32, #tpu.memory_space<vmem>>, vector<16xf32>,
    %max3A_740 = arith.maximumf %max3A_735, %get3A_739 : vector<16xf32>
    %get3A_741 = arith.constant 11 : i32
    %get3A_742 = arith.index_cast %get3A_741 : i32 to index
    %get3A_743 = arith.constant 0 : index
    %get3A_744 = tpu.vector_load %arg10[%get3A_742, %get3A_743] {strides = array<i32>} : memref<16x128xf32, #tpu.memory_space<vmem>>, vector<16xf32>,
    %max3A_745 = arith.maximumf %max3A_740, %get3A_744 : vector<16xf32>
    %get3A_746 = arith.constant 12 : i32
    %get3A_747 = arith.index_cast %get3A_746 : i32 to index
    %get3A_748 = arith.constant 0 : index
    %get3A_749 = tpu.vector_load %arg10[%get3A_747, %get3A_748] {strides = array<i32>} : memref<16x128xf32, #tpu.memory_space<vmem>>, vector<16xf32>,
    %max3A_750 = arith.maximumf %max3A_745, %get3A_749 : vector<16xf32>
    %get3A_751 = arith.constant 13 : i32
    %get3A_752 = arith.index_cast %get3A_751 : i32 to index
    %get3A_753 = arith.constant 0 : index
    %get3A_754 = tpu.vector_load %arg10[%get3A_752, %get3A_753] {strides = array<i32>} : memref<16x128xf32, #tpu.memory_space<vmem>>, vector<16xf32>,
    %max3A_755 = arith.maximumf %max3A_750, %get3A_754 : vector<16xf32>
    %get3A_756 = arith.constant 14 : i32
    %get3A_757 = arith.index_cast %get3A_756 : i32 to index
    %get3A_758 = arith.constant 0 : index
    %get3A_759 = tpu.vector_load %arg10[%get3A_757, %get3A_758] {strides = array<i32>} : memref<16x128xf32, #tpu.memory_space<vmem>>, vector<16xf32>,
    %max3A_760 = arith.maximumf %max3A_755, %get3A_759 : vector<16xf32>
    %get3A_761 = arith.constant 15 : i32
    %get3A_762 = arith.index_cast %get3A_761 : i32 to index
    %get3A_763 = arith.constant 0 : index
    %get3A_764 = tpu.vector_load %arg10[%get3A_762, %get3A_763] {strides = array<i32>} : memref<16x128xf32, #tpu.memory_space<vmem>>, vector<16xf32>,
    %max3A_765 = arith.maximumf %max3A_760, %get3A_764 : vector<16xf32>
    %swap3A_766 = arith.constant 0 : index
    %swap3A_767 = tpu.vector_load %arg11[%swap3A_766] {strides = array<i32>} : memref<128xf32, #tpu.memory_space<vmem>>, vector<16xf32>,
    tpu.vector_store %arg11[%swap3A_766], %max3A_765 {strides = array<i32>} : memref<128xf32, #tpu.memory_space<vmem>>, vector<16xf32>,
    %get3A_768 = arith.constant 0 : i32
    %get3A_769 = arith.index_cast %get3A_768 : i32 to index
    %get3A_770 = arith.constant 16 : index
    %get3A_771 = tpu.vector_load %arg10[%get3A_769, %get3A_770] {strides = array<i32>} : memref<16x128xf32, #tpu.memory_space<vmem>>, vector<16xf32>,
    %get3A_772 = arith.constant 1 : i32
    %get3A_773 = arith.index_cast %get3A_772 : i32 to index
    %get3A_774 = arith.constant 16 : index
    %get3A_775 = tpu.vector_load %arg10[%get3A_773, %get3A_774] {strides = array<i32>} : memref<16x128xf32, #tpu.memory_space<vmem>>, vector<16xf32>,
    %max3A_776 = arith.maximumf %get3A_771, %get3A_775 : vector<16xf32>
    %get3A_777 = arith.constant 2 : i32
    %get3A_778 = arith.index_cast %get3A_777 : i32 to index
    %get3A_779 = arith.constant 16 : index
    %get3A_780 = tpu.vector_load %arg10[%get3A_778, %get3A_779] {strides = array<i32>} : memref<16x128xf32, #tpu.memory_space<vmem>>, vector<16xf32>,
    %max3A_781 = arith.maximumf %max3A_776, %get3A_780 : vector<16xf32>
    %get3A_782 = arith.constant 3 : i32
    %get3A_783 = arith.index_cast %get3A_782 : i32 to index
    %get3A_784 = arith.constant 16 : index
    %get3A_785 = tpu.vector_load %arg10[%get3A_783, %get3A_784] {strides = array<i32>} : memref<16x128xf32, #tpu.memory_space<vmem>>, vector<16xf32>,
    %max3A_786 = arith.maximumf %max3A_781, %get3A_785 : vector<16xf32>
    %get3A_787 = arith.constant 4 : i32
    %get3A_788 = arith.index_cast %get3A_787 : i32 to index
    %get3A_789 = arith.constant 16 : index
    %get3A_790 = tpu.vector_load %arg10[%get3A_788, %get3A_789] {strides = array<i32>} : memref<16x128xf32, #tpu.memory_space<vmem>>, vector<16xf32>,
    %max3A_791 = arith.maximumf %max3A_786, %get3A_790 : vector<16xf32>
    %get3A_792 = arith.constant 5 : i32
    %get3A_793 = arith.index_cast %get3A_792 : i32 to index
    %get3A_794 = arith.constant 16 : index
    %get3A_795 = tpu.vector_load %arg10[%get3A_793, %get3A_794] {strides = array<i32>} : memref<16x128xf32, #tpu.memory_space<vmem>>, vector<16xf32>,
    %max3A_796 = arith.maximumf %max3A_791, %get3A_795 : vector<16xf32>
    %get3A_797 = arith.constant 6 : i32
    %get3A_798 = arith.index_cast %get3A_797 : i32 to index
    %get3A_799 = arith.constant 16 : index
    %get3A_800 = tpu.vector_load %arg10[%get3A_798, %get3A_799] {strides = array<i32>} : memref<16x128xf32, #tpu.memory_space<vmem>>, vector<16xf32>,
    %max3A_801 = arith.maximumf %max3A_796, %get3A_800 : vector<16xf32>
    %get3A_802 = arith.constant 7 : i32
    %get3A_803 = arith.index_cast %get3A_802 : i32 to index
    %get3A_804 = arith.constant 16 : index
    %get3A_805 = tpu.vector_load %arg10[%get3A_803, %get3A_804] {strides = array<i32>} : memref<16x128xf32, #tpu.memory_space<vmem>>, vector<16xf32>,
    %max3A_806 = arith.maximumf %max3A_801, %get3A_805 : vector<16xf32>
    %get3A_807 = arith.constant 8 : i32
    %get3A_808 = arith.index_cast %get3A_807 : i32 to index
    %get3A_809 = arith.constant 16 : index
    %get3A_810 = tpu.vector_load %arg10[%get3A_808, %get3A_809] {strides = array<i32>} : memref<16x128xf32, #tpu.memory_space<vmem>>, vector<16xf32>,
    %max3A_811 = arith.maximumf %max3A_806, %get3A_810 : vector<16xf32>
    %get3A_812 = arith.constant 9 : i32
    %get3A_813 = arith.index_cast %get3A_812 : i32 to index
    %get3A_814 = arith.constant 16 : index
    %get3A_815 = tpu.vector_load %arg10[%get3A_813, %get3A_814] {strides = array<i32>} : memref<16x128xf32, #tpu.memory_space<vmem>>, vector<16xf32>,
    %max3A_816 = arith.maximumf %max3A_811, %get3A_815 : vector<16xf32>
    %get3A_817 = arith.constant 10 : i32
    %get3A_818 = arith.index_cast %get3A_817 : i32 to index
    %get3A_819 = arith.constant 16 : index
    %get3A_820 = tpu.vector_load %arg10[%get3A_818, %get3A_819] {strides = array<i32>} : memref<16x128xf32, #tpu.memory_space<vmem>>, vector<16xf32>,
    %max3A_821 = arith.maximumf %max3A_816, %get3A_820 : vector<16xf32>
    %get3A_822 = arith.constant 11 : i32
    %get3A_823 = arith.index_cast %get3A_822 : i32 to index
    %get3A_824 = arith.constant 16 : index
    %get3A_825 = tpu.vector_load %arg10[%get3A_823, %get3A_824] {strides = array<i32>} : memref<16x128xf32, #tpu.memory_space<vmem>>, vector<16xf32>,
    %max3A_826 = arith.maximumf %max3A_821, %get3A_825 : vector<16xf32>
    %get3A_827 = arith.constant 12 : i32
    %get3A_828 = arith.index_cast %get3A_827 : i32 to index
    %get3A_829 = arith.constant 16 : index
    %get3A_830 = tpu.vector_load %arg10[%get3A_828, %get3A_829] {strides = array<i32>} : memref<16x128xf32, #tpu.memory_space<vmem>>, vector<16xf32>,
    %max3A_831 = arith.maximumf %max3A_826, %get3A_830 : vector<16xf32>
    %get3A_832 = arith.constant 13 : i32
    %get3A_833 = arith.index_cast %get3A_832 : i32 to index
    %get3A_834 = arith.constant 16 : index
    %get3A_835 = tpu.vector_load %arg10[%get3A_833, %get3A_834] {strides = array<i32>} : memref<16x128xf32, #tpu.memory_space<vmem>>, vector<16xf32>,
    %max3A_836 = arith.maximumf %max3A_831, %get3A_835 : vector<16xf32>
    %get3A_837 = arith.constant 14 : i32
    %get3A_838 = arith.index_cast %get3A_837 : i32 to index
    %get3A_839 = arith.constant 16 : index
    %get3A_840 = tpu.vector_load %arg10[%get3A_838, %get3A_839] {strides = array<i32>} : memref<16x128xf32, #tpu.memory_space<vmem>>, vector<16xf32>,
    %max3A_841 = arith.maximumf %max3A_836, %get3A_840 : vector<16xf32>
    %get3A_842 = arith.constant 15 : i32
    %get3A_843 = arith.index_cast %get3A_842 : i32 to index
    %get3A_844 = arith.constant 16 : index
    %get3A_845 = tpu.vector_load %arg10[%get3A_843, %get3A_844] {strides = array<i32>} : memref<16x128xf32, #tpu.memory_space<vmem>>, vector<16xf32>,
    %max3A_846 = arith.maximumf %max3A_841, %get3A_845 : vector<16xf32>
    %swap3A_847 = arith.constant 16 : index
    %swap3A_848 = tpu.vector_load %arg11[%swap3A_847] {strides = array<i32>} : memref<128xf32, #tpu.memory_space<vmem>>, vector<16xf32>,
    tpu.vector_store %arg11[%swap3A_847], %max3A_846 {strides = array<i32>} : memref<128xf32, #tpu.memory_space<vmem>>, vector<16xf32>,
    %get3A_849 = arith.constant 0 : i32
    %get3A_850 = arith.index_cast %get3A_849 : i32 to index
    %get3A_851 = arith.constant 32 : index
    %get3A_852 = tpu.vector_load %arg10[%get3A_850, %get3A_851] {strides = array<i32>} : memref<16x128xf32, #tpu.memory_space<vmem>>, vector<16xf32>,
    %get3A_853 = arith.constant 1 : i32
    %get3A_854 = arith.index_cast %get3A_853 : i32 to index
    %get3A_855 = arith.constant 32 : index
    %get3A_856 = tpu.vector_load %arg10[%get3A_854, %get3A_855] {strides = array<i32>} : memref<16x128xf32, #tpu.memory_space<vmem>>, vector<16xf32>,
    %max3A_857 = arith.maximumf %get3A_852, %get3A_856 : vector<16xf32>
    %get3A_858 = arith.constant 2 : i32
    %get3A_859 = arith.index_cast %get3A_858 : i32 to index
    %get3A_860 = arith.constant 32 : index
    %get3A_861 = tpu.vector_load %arg10[%get3A_859, %get3A_860] {strides = array<i32>} : memref<16x128xf32, #tpu.memory_space<vmem>>, vector<16xf32>,
    %max3A_862 = arith.maximumf %max3A_857, %get3A_861 : vector<16xf32>
    %get3A_863 = arith.constant 3 : i32
    %get3A_864 = arith.index_cast %get3A_863 : i32 to index
    %get3A_865 = arith.constant 32 : index
    %get3A_866 = tpu.vector_load %arg10[%get3A_864, %get3A_865] {strides = array<i32>} : memref<16x128xf32, #tpu.memory_space<vmem>>, vector<16xf32>,
    %max3A_867 = arith.maximumf %max3A_862, %get3A_866 : vector<16xf32>
    %get3A_868 = arith.constant 4 : i32
    %get3A_869 = arith.index_cast %get3A_868 : i32 to index
    %get3A_870 = arith.constant 32 : index
    %get3A_871 = tpu.vector_load %arg10[%get3A_869, %get3A_870] {strides = array<i32>} : memref<16x128xf32, #tpu.memory_space<vmem>>, vector<16xf32>,
    %max3A_872 = arith.maximumf %max3A_867, %get3A_871 : vector<16xf32>
    %get3A_873 = arith.constant 5 : i32
    %get3A_874 = arith.index_cast %get3A_873 : i32 to index
    %get3A_875 = arith.constant 32 : index
    %get3A_876 = tpu.vector_load %arg10[%get3A_874, %get3A_875] {strides = array<i32>} : memref<16x128xf32, #tpu.memory_space<vmem>>, vector<16xf32>,
    %max3A_877 = arith.maximumf %max3A_872, %get3A_876 : vector<16xf32>
    %get3A_878 = arith.constant 6 : i32
    %get3A_879 = arith.index_cast %get3A_878 : i32 to index
    %get3A_880 = arith.constant 32 : index
    %get3A_881 = tpu.vector_load %arg10[%get3A_879, %get3A_880] {strides = array<i32>} : memref<16x128xf32, #tpu.memory_space<vmem>>, vector<16xf32>,
    %max3A_882 = arith.maximumf %max3A_877, %get3A_881 : vector<16xf32>
    %get3A_883 = arith.constant 7 : i32
    %get3A_884 = arith.index_cast %get3A_883 : i32 to index
    %get3A_885 = arith.constant 32 : index
    %get3A_886 = tpu.vector_load %arg10[%get3A_884, %get3A_885] {strides = array<i32>} : memref<16x128xf32, #tpu.memory_space<vmem>>, vector<16xf32>,
    %max3A_887 = arith.maximumf %max3A_882, %get3A_886 : vector<16xf32>
    %get3A_888 = arith.constant 8 : i32
    %get3A_889 = arith.index_cast %get3A_888 : i32 to index
    %get3A_890 = arith.constant 32 : index
    %get3A_891 = tpu.vector_load %arg10[%get3A_889, %get3A_890] {strides = array<i32>} : memref<16x128xf32, #tpu.memory_space<vmem>>, vector<16xf32>,
    %max3A_892 = arith.maximumf %max3A_887, %get3A_891 : vector<16xf32>
    %get3A_893 = arith.constant 9 : i32
    %get3A_894 = arith.index_cast %get3A_893 : i32 to index
    %get3A_895 = arith.constant 32 : index
    %get3A_896 = tpu.vector_load %arg10[%get3A_894, %get3A_895] {strides = array<i32>} : memref<16x128xf32, #tpu.memory_space<vmem>>, vector<16xf32>,
    %max3A_897 = arith.maximumf %max3A_892, %get3A_896 : vector<16xf32>
    %get3A_898 = arith.constant 10 : i32
    %get3A_899 = arith.index_cast %get3A_898 : i32 to index
    %get3A_900 = arith.constant 32 : index
    %get3A_901 = tpu.vector_load %arg10[%get3A_899, %get3A_900] {strides = array<i32>} : memref<16x128xf32, #tpu.memory_space<vmem>>, vector<16xf32>,
    %max3A_902 = arith.maximumf %max3A_897, %get3A_901 : vector<16xf32>
    %get3A_903 = arith.constant 11 : i32
    %get3A_904 = arith.index_cast %get3A_903 : i32 to index
    %get3A_905 = arith.constant 32 : index
    %get3A_906 = tpu.vector_load %arg10[%get3A_904, %get3A_905] {strides = array<i32>} : memref<16x128xf32, #tpu.memory_space<vmem>>, vector<16xf32>,
    %max3A_907 = arith.maximumf %max3A_902, %get3A_906 : vector<16xf32>
    %get3A_908 = arith.constant 12 : i32
    %get3A_909 = arith.index_cast %get3A_908 : i32 to index
    %get3A_910 = arith.constant 32 : index
    %get3A_911 = tpu.vector_load %arg10[%get3A_909, %get3A_910] {strides = array<i32>} : memref<16x128xf32, #tpu.memory_space<vmem>>, vector<16xf32>,
    %max3A_912 = arith.maximumf %max3A_907, %get3A_911 : vector<16xf32>
    %get3A_913 = arith.constant 13 : i32
    %get3A_914 = arith.index_cast %get3A_913 : i32 to index
    %get3A_915 = arith.constant 32 : index
    %get3A_916 = tpu.vector_load %arg10[%get3A_914, %get3A_915] {strides = array<i32>} : memref<16x128xf32, #tpu.memory_space<vmem>>, vector<16xf32>,
    %max3A_917 = arith.maximumf %max3A_912, %get3A_916 : vector<16xf32>
    %get3A_918 = arith.constant 14 : i32
    %get3A_919 = arith.index_cast %get3A_918 : i32 to index
    %get3A_920 = arith.constant 32 : index
    %get3A_921 = tpu.vector_load %arg10[%get3A_919, %get3A_920] {strides = array<i32>} : memref<16x128xf32, #tpu.memory_space<vmem>>, vector<16xf32>,
    %max3A_922 = arith.maximumf %max3A_917, %get3A_921 : vector<16xf32>
    %get3A_923 = arith.constant 15 : i32
    %get3A_924 = arith.index_cast %get3A_923 : i32 to index
    %get3A_925 = arith.constant 32 : index
    %get3A_926 = tpu.vector_load %arg10[%get3A_924, %get3A_925] {strides = array<i32>} : memref<16x128xf32, #tpu.memory_space<vmem>>, vector<16xf32>,
    %max3A_927 = arith.maximumf %max3A_922, %get3A_926 : vector<16xf32>
    %swap3A_928 = arith.constant 32 : index
    %swap3A_929 = tpu.vector_load %arg11[%swap3A_928] {strides = array<i32>} : memref<128xf32, #tpu.memory_space<vmem>>, vector<16xf32>,
    tpu.vector_store %arg11[%swap3A_928], %max3A_927 {strides = array<i32>} : memref<128xf32, #tpu.memory_space<vmem>>, vector<16xf32>,
    %get3A_930 = arith.constant 0 : i32
    %get3A_931 = arith.index_cast %get3A_930 : i32 to index
    %get3A_932 = arith.constant 48 : index
    %get3A_933 = tpu.vector_load %arg10[%get3A_931, %get3A_932] {strides = array<i32>} : memref<16x128xf32, #tpu.memory_space<vmem>>, vector<16xf32>,
    %get3A_934 = arith.constant 1 : i32
    %get3A_935 = arith.index_cast %get3A_934 : i32 to index
    %get3A_936 = arith.constant 48 : index
    %get3A_937 = tpu.vector_load %arg10[%get3A_935, %get3A_936] {strides = array<i32>} : memref<16x128xf32, #tpu.memory_space<vmem>>, vector<16xf32>,
    %max3A_938 = arith.maximumf %get3A_933, %get3A_937 : vector<16xf32>
    %get3A_939 = arith.constant 2 : i32
    %get3A_940 = arith.index_cast %get3A_939 : i32 to index
    %get3A_941 = arith.constant 48 : index
    %get3A_942 = tpu.vector_load %arg10[%get3A_940, %get3A_941] {strides = array<i32>} : memref<16x128xf32, #tpu.memory_space<vmem>>, vector<16xf32>,
    %max3A_943 = arith.maximumf %max3A_938, %get3A_942 : vector<16xf32>
    %get3A_944 = arith.constant 3 : i32
    %get3A_945 = arith.index_cast %get3A_944 : i32 to index
    %get3A_946 = arith.constant 48 : index
    %get3A_947 = tpu.vector_load %arg10[%get3A_945, %get3A_946] {strides = array<i32>} : memref<16x128xf32, #tpu.memory_space<vmem>>, vector<16xf32>,
    %max3A_948 = arith.maximumf %max3A_943, %get3A_947 : vector<16xf32>
    %get3A_949 = arith.constant 4 : i32
    %get3A_950 = arith.index_cast %get3A_949 : i32 to index
    %get3A_951 = arith.constant 48 : index
    %get3A_952 = tpu.vector_load %arg10[%get3A_950, %get3A_951] {strides = array<i32>} : memref<16x128xf32, #tpu.memory_space<vmem>>, vector<16xf32>,
    %max3A_953 = arith.maximumf %max3A_948, %get3A_952 : vector<16xf32>
    %get3A_954 = arith.constant 5 : i32
    %get3A_955 = arith.index_cast %get3A_954 : i32 to index
    %get3A_956 = arith.constant 48 : index
    %get3A_957 = tpu.vector_load %arg10[%get3A_955, %get3A_956] {strides = array<i32>} : memref<16x128xf32, #tpu.memory_space<vmem>>, vector<16xf32>,
    %max3A_958 = arith.maximumf %max3A_953, %get3A_957 : vector<16xf32>
    %get3A_959 = arith.constant 6 : i32
    %get3A_960 = arith.index_cast %get3A_959 : i32 to index
    %get3A_961 = arith.constant 48 : index
    %get3A_962 = tpu.vector_load %arg10[%get3A_960, %get3A_961] {strides = array<i32>} : memref<16x128xf32, #tpu.memory_space<vmem>>, vector<16xf32>,
    %max3A_963 = arith.maximumf %max3A_958, %get3A_962 : vector<16xf32>
    %get3A_964 = arith.constant 7 : i32
    %get3A_965 = arith.index_cast %get3A_964 : i32 to index
    %get3A_966 = arith.constant 48 : index
    %get3A_967 = tpu.vector_load %arg10[%get3A_965, %get3A_966] {strides = array<i32>} : memref<16x128xf32, #tpu.memory_space<vmem>>, vector<16xf32>,
    %max3A_968 = arith.maximumf %max3A_963, %get3A_967 : vector<16xf32>
    %get3A_969 = arith.constant 8 : i32
    %get3A_970 = arith.index_cast %get3A_969 : i32 to index
    %get3A_971 = arith.constant 48 : index
    %get3A_972 = tpu.vector_load %arg10[%get3A_970, %get3A_971] {strides = array<i32>} : memref<16x128xf32, #tpu.memory_space<vmem>>, vector<16xf32>,
    %max3A_973 = arith.maximumf %max3A_968, %get3A_972 : vector<16xf32>
    %get3A_974 = arith.constant 9 : i32
    %get3A_975 = arith.index_cast %get3A_974 : i32 to index
    %get3A_976 = arith.constant 48 : index
    %get3A_977 = tpu.vector_load %arg10[%get3A_975, %get3A_976] {strides = array<i32>} : memref<16x128xf32, #tpu.memory_space<vmem>>, vector<16xf32>,
    %max3A_978 = arith.maximumf %max3A_973, %get3A_977 : vector<16xf32>
    %get3A_979 = arith.constant 10 : i32
    %get3A_980 = arith.index_cast %get3A_979 : i32 to index
    %get3A_981 = arith.constant 48 : index
    %get3A_982 = tpu.vector_load %arg10[%get3A_980, %get3A_981] {strides = array<i32>} : memref<16x128xf32, #tpu.memory_space<vmem>>, vector<16xf32>,
    %max3A_983 = arith.maximumf %max3A_978, %get3A_982 : vector<16xf32>
    %get3A_984 = arith.constant 11 : i32
    %get3A_985 = arith.index_cast %get3A_984 : i32 to index
    %get3A_986 = arith.constant 48 : index
    %get3A_987 = tpu.vector_load %arg10[%get3A_985, %get3A_986] {strides = array<i32>} : memref<16x128xf32, #tpu.memory_space<vmem>>, vector<16xf32>,
    %max3A_988 = arith.maximumf %max3A_983, %get3A_987 : vector<16xf32>
    %get3A_989 = arith.constant 12 : i32
    %get3A_990 = arith.index_cast %get3A_989 : i32 to index
    %get3A_991 = arith.constant 48 : index
    %get3A_992 = tpu.vector_load %arg10[%get3A_990, %get3A_991] {strides = array<i32>} : memref<16x128xf32, #tpu.memory_space<vmem>>, vector<16xf32>,
    %max3A_993 = arith.maximumf %max3A_988, %get3A_992 : vector<16xf32>
    %get3A_994 = arith.constant 13 : i32
    %get3A_995 = arith.index_cast %get3A_994 : i32 to index
    %get3A_996 = arith.constant 48 : index
    %get3A_997 = tpu.vector_load %arg10[%get3A_995, %get3A_996] {strides = array<i32>} : memref<16x128xf32, #tpu.memory_space<vmem>>, vector<16xf32>,
    %max3A_998 = arith.maximumf %max3A_993, %get3A_997 : vector<16xf32>
    %get3A_999 = arith.constant 14 : i32
    %get3A_1000 = arith.index_cast %get3A_999 : i32 to index
    %get3A_1001 = arith.constant 48 : index
    %get3A_1002 = tpu.vector_load %arg10[%get3A_1000, %get3A_1001] {strides = array<i32>} : memref<16x128xf32, #tpu.memory_space<vmem>>, vector<16xf32>,
    %max3A_1003 = arith.maximumf %max3A_998, %get3A_1002 : vector<16xf32>
    %get3A_1004 = arith.constant 15 : i32
    %get3A_1005 = arith.index_cast %get3A_1004 : i32 to index
    %get3A_1006 = arith.constant 48 : index
    %get3A_1007 = tpu.vector_load %arg10[%get3A_1005, %get3A_1006] {strides = array<i32>} : memref<16x128xf32, #tpu.memory_space<vmem>>, vector<16xf32>,
    %max3A_1008 = arith.maximumf %max3A_1003, %get3A_1007 : vector<16xf32>
    %swap3A_1009 = arith.constant 48 : index
    %swap3A_1010 = tpu.vector_load %arg11[%swap3A_1009] {strides = array<i32>} : memref<128xf32, #tpu.memory_space<vmem>>, vector<16xf32>,
    tpu.vector_store %arg11[%swap3A_1009], %max3A_1008 {strides = array<i32>} : memref<128xf32, #tpu.memory_space<vmem>>, vector<16xf32>,
    %get3A_1011 = arith.constant 0 : i32
    %get3A_1012 = arith.index_cast %get3A_1011 : i32 to index
    %get3A_1013 = arith.constant 64 : index
    %get3A_1014 = tpu.vector_load %arg10[%get3A_1012, %get3A_1013] {strides = array<i32>} : memref<16x128xf32, #tpu.memory_space<vmem>>, vector<16xf32>,
    %get3A_1015 = arith.constant 1 : i32
    %get3A_1016 = arith.index_cast %get3A_1015 : i32 to index
    %get3A_1017 = arith.constant 64 : index
    %get3A_1018 = tpu.vector_load %arg10[%get3A_1016, %get3A_1017] {strides = array<i32>} : memref<16x128xf32, #tpu.memory_space<vmem>>, vector<16xf32>,
    %max3A_1019 = arith.maximumf %get3A_1014, %get3A_1018 : vector<16xf32>
    %get3A_1020 = arith.constant 2 : i32
    %get3A_1021 = arith.index_cast %get3A_1020 : i32 to index
    %get3A_1022 = arith.constant 64 : index
    %get3A_1023 = tpu.vector_load %arg10[%get3A_1021, %get3A_1022] {strides = array<i32>} : memref<16x128xf32, #tpu.memory_space<vmem>>, vector<16xf32>,
    %max3A_1024 = arith.maximumf %max3A_1019, %get3A_1023 : vector<16xf32>
    %get3A_1025 = arith.constant 3 : i32
    %get3A_1026 = arith.index_cast %get3A_1025 : i32 to index
    %get3A_1027 = arith.constant 64 : index
    %get3A_1028 = tpu.vector_load %arg10[%get3A_1026, %get3A_1027] {strides = array<i32>} : memref<16x128xf32, #tpu.memory_space<vmem>>, vector<16xf32>,
    %max3A_1029 = arith.maximumf %max3A_1024, %get3A_1028 : vector<16xf32>
    %get3A_1030 = arith.constant 4 : i32
    %get3A_1031 = arith.index_cast %get3A_1030 : i32 to index
    %get3A_1032 = arith.constant 64 : index
    %get3A_1033 = tpu.vector_load %arg10[%get3A_1031, %get3A_1032] {strides = array<i32>} : memref<16x128xf32, #tpu.memory_space<vmem>>, vector<16xf32>,
    %max3A_1034 = arith.maximumf %max3A_1029, %get3A_1033 : vector<16xf32>
    %get3A_1035 = arith.constant 5 : i32
    %get3A_1036 = arith.index_cast %get3A_1035 : i32 to index
    %get3A_1037 = arith.constant 64 : index
    %get3A_1038 = tpu.vector_load %arg10[%get3A_1036, %get3A_1037] {strides = array<i32>} : memref<16x128xf32, #tpu.memory_space<vmem>>, vector<16xf32>,
    %max3A_1039 = arith.maximumf %max3A_1034, %get3A_1038 : vector<16xf32>
    %get3A_1040 = arith.constant 6 : i32
    %get3A_1041 = arith.index_cast %get3A_1040 : i32 to index
    %get3A_1042 = arith.constant 64 : index
    %get3A_1043 = tpu.vector_load %arg10[%get3A_1041, %get3A_1042] {strides = array<i32>} : memref<16x128xf32, #tpu.memory_space<vmem>>, vector<16xf32>,
    %max3A_1044 = arith.maximumf %max3A_1039, %get3A_1043 : vector<16xf32>
    %get3A_1045 = arith.constant 7 : i32
    %get3A_1046 = arith.index_cast %get3A_1045 : i32 to index
    %get3A_1047 = arith.constant 64 : index
    %get3A_1048 = tpu.vector_load %arg10[%get3A_1046, %get3A_1047] {strides = array<i32>} : memref<16x128xf32, #tpu.memory_space<vmem>>, vector<16xf32>,
    %max3A_1049 = arith.maximumf %max3A_1044, %get3A_1048 : vector<16xf32>
    %get3A_1050 = arith.constant 8 : i32
    %get3A_1051 = arith.index_cast %get3A_1050 : i32 to index
    %get3A_1052 = arith.constant 64 : index
    %get3A_1053 = tpu.vector_load %arg10[%get3A_1051, %get3A_1052] {strides = array<i32>} : memref<16x128xf32, #tpu.memory_space<vmem>>, vector<16xf32>,
    %max3A_1054 = arith.maximumf %max3A_1049, %get3A_1053 : vector<16xf32>
    %get3A_1055 = arith.constant 9 : i32
    %get3A_1056 = arith.index_cast %get3A_1055 : i32 to index
    %get3A_1057 = arith.constant 64 : index
    %get3A_1058 = tpu.vector_load %arg10[%get3A_1056, %get3A_1057] {strides = array<i32>} : memref<16x128xf32, #tpu.memory_space<vmem>>, vector<16xf32>,
    %max3A_1059 = arith.maximumf %max3A_1054, %get3A_1058 : vector<16xf32>
    %get3A_1060 = arith.constant 10 : i32
    %get3A_1061 = arith.index_cast %get3A_1060 : i32 to index
    %get3A_1062 = arith.constant 64 : index
    %get3A_1063 = tpu.vector_load %arg10[%get3A_1061, %get3A_1062] {strides = array<i32>} : memref<16x128xf32, #tpu.memory_space<vmem>>, vector<16xf32>,
    %max3A_1064 = arith.maximumf %max3A_1059, %get3A_1063 : vector<16xf32>
    %get3A_1065 = arith.constant 11 : i32
    %get3A_1066 = arith.index_cast %get3A_1065 : i32 to index
    %get3A_1067 = arith.constant 64 : index
    %get3A_1068 = tpu.vector_load %arg10[%get3A_1066, %get3A_1067] {strides = array<i32>} : memref<16x128xf32, #tpu.memory_space<vmem>>, vector<16xf32>,
    %max3A_1069 = arith.maximumf %max3A_1064, %get3A_1068 : vector<16xf32>
    %get3A_1070 = arith.constant 12 : i32
    %get3A_1071 = arith.index_cast %get3A_1070 : i32 to index
    %get3A_1072 = arith.constant 64 : index
    %get3A_1073 = tpu.vector_load %arg10[%get3A_1071, %get3A_1072] {strides = array<i32>} : memref<16x128xf32, #tpu.memory_space<vmem>>, vector<16xf32>,
    %max3A_1074 = arith.maximumf %max3A_1069, %get3A_1073 : vector<16xf32>
    %get3A_1075 = arith.constant 13 : i32
    %get3A_1076 = arith.index_cast %get3A_1075 : i32 to index
    %get3A_1077 = arith.constant 64 : index
    %get3A_1078 = tpu.vector_load %arg10[%get3A_1076, %get3A_1077] {strides = array<i32>} : memref<16x128xf32, #tpu.memory_space<vmem>>, vector<16xf32>,
    %max3A_1079 = arith.maximumf %max3A_1074, %get3A_1078 : vector<16xf32>
    %get3A_1080 = arith.constant 14 : i32
    %get3A_1081 = arith.index_cast %get3A_1080 : i32 to index
    %get3A_1082 = arith.constant 64 : index
    %get3A_1083 = tpu.vector_load %arg10[%get3A_1081, %get3A_1082] {strides = array<i32>} : memref<16x128xf32, #tpu.memory_space<vmem>>, vector<16xf32>,
    %max3A_1084 = arith.maximumf %max3A_1079, %get3A_1083 : vector<16xf32>
    %get3A_1085 = arith.constant 15 : i32
    %get3A_1086 = arith.index_cast %get3A_1085 : i32 to index
    %get3A_1087 = arith.constant 64 : index
    %get3A_1088 = tpu.vector_load %arg10[%get3A_1086, %get3A_1087] {strides = array<i32>} : memref<16x128xf32, #tpu.memory_space<vmem>>, vector<16xf32>,
    %max3A_1089 = arith.maximumf %max3A_1084, %get3A_1088 : vector<16xf32>
    %swap3A_1090 = arith.constant 64 : index
    %swap3A_1091 = tpu.vector_load %arg11[%swap3A_1090] {strides = array<i32>} : memref<128xf32, #tpu.memory_space<vmem>>, vector<16xf32>,
    tpu.vector_store %arg11[%swap3A_1090], %max3A_1089 {strides = array<i32>} : memref<128xf32, #tpu.memory_space<vmem>>, vector<16xf32>,
    %get3A_1092 = arith.constant 0 : i32
    %get3A_1093 = arith.index_cast %get3A_1092 : i32 to index
    %get3A_1094 = arith.constant 80 : index
    %get3A_1095 = tpu.vector_load %arg10[%get3A_1093, %get3A_1094] {strides = array<i32>} : memref<16x128xf32, #tpu.memory_space<vmem>>, vector<16xf32>,
    %get3A_1096 = arith.constant 1 : i32
    %get3A_1097 = arith.index_cast %get3A_1096 : i32 to index
    %get3A_1098 = arith.constant 80 : index
    %get3A_1099 = tpu.vector_load %arg10[%get3A_1097, %get3A_1098] {strides = array<i32>} : memref<16x128xf32, #tpu.memory_space<vmem>>, vector<16xf32>,
    %max3A_1100 = arith.maximumf %get3A_1095, %get3A_1099 : vector<16xf32>
    %get3A_1101 = arith.constant 2 : i32
    %get3A_1102 = arith.index_cast %get3A_1101 : i32 to index
    %get3A_1103 = arith.constant 80 : index
    %get3A_1104 = tpu.vector_load %arg10[%get3A_1102, %get3A_1103] {strides = array<i32>} : memref<16x128xf32, #tpu.memory_space<vmem>>, vector<16xf32>,
    %max3A_1105 = arith.maximumf %max3A_1100, %get3A_1104 : vector<16xf32>
    %get3A_1106 = arith.constant 3 : i32
    %get3A_1107 = arith.index_cast %get3A_1106 : i32 to index
    %get3A_1108 = arith.constant 80 : index
    %get3A_1109 = tpu.vector_load %arg10[%get3A_1107, %get3A_1108] {strides = array<i32>} : memref<16x128xf32, #tpu.memory_space<vmem>>, vector<16xf32>,
    %max3A_1110 = arith.maximumf %max3A_1105, %get3A_1109 : vector<16xf32>
    %get3A_1111 = arith.constant 4 : i32
    %get3A_1112 = arith.index_cast %get3A_1111 : i32 to index
    %get3A_1113 = arith.constant 80 : index
    %get3A_1114 = tpu.vector_load %arg10[%get3A_1112, %get3A_1113] {strides = array<i32>} : memref<16x128xf32, #tpu.memory_space<vmem>>, vector<16xf32>,
    %max3A_1115 = arith.maximumf %max3A_1110, %get3A_1114 : vector<16xf32>
    %get3A_1116 = arith.constant 5 : i32
    %get3A_1117 = arith.index_cast %get3A_1116 : i32 to index
    %get3A_1118 = arith.constant 80 : index
    %get3A_1119 = tpu.vector_load %arg10[%get3A_1117, %get3A_1118] {strides = array<i32>} : memref<16x128xf32, #tpu.memory_space<vmem>>, vector<16xf32>,
    %max3A_1120 = arith.maximumf %max3A_1115, %get3A_1119 : vector<16xf32>
    %get3A_1121 = arith.constant 6 : i32
    %get3A_1122 = arith.index_cast %get3A_1121 : i32 to index
    %get3A_1123 = arith.constant 80 : index
    %get3A_1124 = tpu.vector_load %arg10[%get3A_1122, %get3A_1123] {strides = array<i32>} : memref<16x128xf32, #tpu.memory_space<vmem>>, vector<16xf32>,
    %max3A_1125 = arith.maximumf %max3A_1120, %get3A_1124 : vector<16xf32>
    %get3A_1126 = arith.constant 7 : i32
    %get3A_1127 = arith.index_cast %get3A_1126 : i32 to index
    %get3A_1128 = arith.constant 80 : index
    %get3A_1129 = tpu.vector_load %arg10[%get3A_1127, %get3A_1128] {strides = array<i32>} : memref<16x128xf32, #tpu.memory_space<vmem>>, vector<16xf32>,
    %max3A_1130 = arith.maximumf %max3A_1125, %get3A_1129 : vector<16xf32>
    %get3A_1131 = arith.constant 8 : i32
    %get3A_1132 = arith.index_cast %get3A_1131 : i32 to index
    %get3A_1133 = arith.constant 80 : index
    %get3A_1134 = tpu.vector_load %arg10[%get3A_1132, %get3A_1133] {strides = array<i32>} : memref<16x128xf32, #tpu.memory_space<vmem>>, vector<16xf32>,
    %max3A_1135 = arith.maximumf %max3A_1130, %get3A_1134 : vector<16xf32>
    %get3A_1136 = arith.constant 9 : i32
    %get3A_1137 = arith.index_cast %get3A_1136 : i32 to index
    %get3A_1138 = arith.constant 80 : index
    %get3A_1139 = tpu.vector_load %arg10[%get3A_1137, %get3A_1138] {strides = array<i32>} : memref<16x128xf32, #tpu.memory_space<vmem>>, vector<16xf32>,
    %max3A_1140 = arith.maximumf %max3A_1135, %get3A_1139 : vector<16xf32>
    %get3A_1141 = arith.constant 10 : i32
    %get3A_1142 = arith.index_cast %get3A_1141 : i32 to index
    %get3A_1143 = arith.constant 80 : index
    %get3A_1144 = tpu.vector_load %arg10[%get3A_1142, %get3A_1143] {strides = array<i32>} : memref<16x128xf32, #tpu.memory_space<vmem>>, vector<16xf32>,
    %max3A_1145 = arith.maximumf %max3A_1140, %get3A_1144 : vector<16xf32>
    %get3A_1146 = arith.constant 11 : i32
    %get3A_1147 = arith.index_cast %get3A_1146 : i32 to index
    %get3A_1148 = arith.constant 80 : index
    %get3A_1149 = tpu.vector_load %arg10[%get3A_1147, %get3A_1148] {strides = array<i32>} : memref<16x128xf32, #tpu.memory_space<vmem>>, vector<16xf32>,
    %max3A_1150 = arith.maximumf %max3A_1145, %get3A_1149 : vector<16xf32>
    %get3A_1151 = arith.constant 12 : i32
    %get3A_1152 = arith.index_cast %get3A_1151 : i32 to index
    %get3A_1153 = arith.constant 80 : index
    %get3A_1154 = tpu.vector_load %arg10[%get3A_1152, %get3A_1153] {strides = array<i32>} : memref<16x128xf32, #tpu.memory_space<vmem>>, vector<16xf32>,
    %max3A_1155 = arith.maximumf %max3A_1150, %get3A_1154 : vector<16xf32>
    %get3A_1156 = arith.constant 13 : i32
    %get3A_1157 = arith.index_cast %get3A_1156 : i32 to index
    %get3A_1158 = arith.constant 80 : index
    %get3A_1159 = tpu.vector_load %arg10[%get3A_1157, %get3A_1158] {strides = array<i32>} : memref<16x128xf32, #tpu.memory_space<vmem>>, vector<16xf32>,
    %max3A_1160 = arith.maximumf %max3A_1155, %get3A_1159 : vector<16xf32>
    %get3A_1161 = arith.constant 14 : i32
    %get3A_1162 = arith.index_cast %get3A_1161 : i32 to index
    %get3A_1163 = arith.constant 80 : index
    %get3A_1164 = tpu.vector_load %arg10[%get3A_1162, %get3A_1163] {strides = array<i32>} : memref<16x128xf32, #tpu.memory_space<vmem>>, vector<16xf32>,
    %max3A_1165 = arith.maximumf %max3A_1160, %get3A_1164 : vector<16xf32>
    %get3A_1166 = arith.constant 15 : i32
    %get3A_1167 = arith.index_cast %get3A_1166 : i32 to index
    %get3A_1168 = arith.constant 80 : index
    %get3A_1169 = tpu.vector_load %arg10[%get3A_1167, %get3A_1168] {strides = array<i32>} : memref<16x128xf32, #tpu.memory_space<vmem>>, vector<16xf32>,
    %max3A_1170 = arith.maximumf %max3A_1165, %get3A_1169 : vector<16xf32>
    %swap3A_1171 = arith.constant 80 : index
    %swap3A_1172 = tpu.vector_load %arg11[%swap3A_1171] {strides = array<i32>} : memref<128xf32, #tpu.memory_space<vmem>>, vector<16xf32>,
    tpu.vector_store %arg11[%swap3A_1171], %max3A_1170 {strides = array<i32>} : memref<128xf32, #tpu.memory_space<vmem>>, vector<16xf32>,
    %get3A_1173 = arith.constant 0 : i32
    %get3A_1174 = arith.index_cast %get3A_1173 : i32 to index
    %get3A_1175 = arith.constant 96 : index
    %get3A_1176 = tpu.vector_load %arg10[%get3A_1174, %get3A_1175] {strides = array<i32>} : memref<16x128xf32, #tpu.memory_space<vmem>>, vector<16xf32>,
    %get3A_1177 = arith.constant 1 : i32
    %get3A_1178 = arith.index_cast %get3A_1177 : i32 to index
    %get3A_1179 = arith.constant 96 : index
    %get3A_1180 = tpu.vector_load %arg10[%get3A_1178, %get3A_1179] {strides = array<i32>} : memref<16x128xf32, #tpu.memory_space<vmem>>, vector<16xf32>,
    %max3A_1181 = arith.maximumf %get3A_1176, %get3A_1180 : vector<16xf32>
    %get3A_1182 = arith.constant 2 : i32
    %get3A_1183 = arith.index_cast %get3A_1182 : i32 to index
    %get3A_1184 = arith.constant 96 : index
    %get3A_1185 = tpu.vector_load %arg10[%get3A_1183, %get3A_1184] {strides = array<i32>} : memref<16x128xf32, #tpu.memory_space<vmem>>, vector<16xf32>,
    %max3A_1186 = arith.maximumf %max3A_1181, %get3A_1185 : vector<16xf32>
    %get3A_1187 = arith.constant 3 : i32
    %get3A_1188 = arith.index_cast %get3A_1187 : i32 to index
    %get3A_1189 = arith.constant 96 : index
    %get3A_1190 = tpu.vector_load %arg10[%get3A_1188, %get3A_1189] {strides = array<i32>} : memref<16x128xf32, #tpu.memory_space<vmem>>, vector<16xf32>,
    %max3A_1191 = arith.maximumf %max3A_1186, %get3A_1190 : vector<16xf32>
    %get3A_1192 = arith.constant 4 : i32
    %get3A_1193 = arith.index_cast %get3A_1192 : i32 to index
    %get3A_1194 = arith.constant 96 : index
    %get3A_1195 = tpu.vector_load %arg10[%get3A_1193, %get3A_1194] {strides = array<i32>} : memref<16x128xf32, #tpu.memory_space<vmem>>, vector<16xf32>,
    %max3A_1196 = arith.maximumf %max3A_1191, %get3A_1195 : vector<16xf32>
    %get3A_1197 = arith.constant 5 : i32
    %get3A_1198 = arith.index_cast %get3A_1197 : i32 to index
    %get3A_1199 = arith.constant 96 : index
    %get3A_1200 = tpu.vector_load %arg10[%get3A_1198, %get3A_1199] {strides = array<i32>} : memref<16x128xf32, #tpu.memory_space<vmem>>, vector<16xf32>,
    %max3A_1201 = arith.maximumf %max3A_1196, %get3A_1200 : vector<16xf32>
    %get3A_1202 = arith.constant 6 : i32
    %get3A_1203 = arith.index_cast %get3A_1202 : i32 to index
    %get3A_1204 = arith.constant 96 : index
    %get3A_1205 = tpu.vector_load %arg10[%get3A_1203, %get3A_1204] {strides = array<i32>} : memref<16x128xf32, #tpu.memory_space<vmem>>, vector<16xf32>,
    %max3A_1206 = arith.maximumf %max3A_1201, %get3A_1205 : vector<16xf32>
    %get3A_1207 = arith.constant 7 : i32
    %get3A_1208 = arith.index_cast %get3A_1207 : i32 to index
    %get3A_1209 = arith.constant 96 : index
    %get3A_1210 = tpu.vector_load %arg10[%get3A_1208, %get3A_1209] {strides = array<i32>} : memref<16x128xf32, #tpu.memory_space<vmem>>, vector<16xf32>,
    %max3A_1211 = arith.maximumf %max3A_1206, %get3A_1210 : vector<16xf32>
    %get3A_1212 = arith.constant 8 : i32
    %get3A_1213 = arith.index_cast %get3A_1212 : i32 to index
    %get3A_1214 = arith.constant 96 : index
    %get3A_1215 = tpu.vector_load %arg10[%get3A_1213, %get3A_1214] {strides = array<i32>} : memref<16x128xf32, #tpu.memory_space<vmem>>, vector<16xf32>,
    %max3A_1216 = arith.maximumf %max3A_1211, %get3A_1215 : vector<16xf32>
    %get3A_1217 = arith.constant 9 : i32
    %get3A_1218 = arith.index_cast %get3A_1217 : i32 to index
    %get3A_1219 = arith.constant 96 : index
    %get3A_1220 = tpu.vector_load %arg10[%get3A_1218, %get3A_1219] {strides = array<i32>} : memref<16x128xf32, #tpu.memory_space<vmem>>, vector<16xf32>,
    %max3A_1221 = arith.maximumf %max3A_1216, %get3A_1220 : vector<16xf32>
    %get3A_1222 = arith.constant 10 : i32
    %get3A_1223 = arith.index_cast %get3A_1222 : i32 to index
    %get3A_1224 = arith.constant 96 : index
    %get3A_1225 = tpu.vector_load %arg10[%get3A_1223, %get3A_1224] {strides = array<i32>} : memref<16x128xf32, #tpu.memory_space<vmem>>, vector<16xf32>,
    %max3A_1226 = arith.maximumf %max3A_1221, %get3A_1225 : vector<16xf32>
    %get3A_1227 = arith.constant 11 : i32
    %get3A_1228 = arith.index_cast %get3A_1227 : i32 to index
    %get3A_1229 = arith.constant 96 : index
    %get3A_1230 = tpu.vector_load %arg10[%get3A_1228, %get3A_1229] {strides = array<i32>} : memref<16x128xf32, #tpu.memory_space<vmem>>, vector<16xf32>,
    %max3A_1231 = arith.maximumf %max3A_1226, %get3A_1230 : vector<16xf32>
    %get3A_1232 = arith.constant 12 : i32
    %get3A_1233 = arith.index_cast %get3A_1232 : i32 to index
    %get3A_1234 = arith.constant 96 : index
    %get3A_1235 = tpu.vector_load %arg10[%get3A_1233, %get3A_1234] {strides = array<i32>} : memref<16x128xf32, #tpu.memory_space<vmem>>, vector<16xf32>,
    %max3A_1236 = arith.maximumf %max3A_1231, %get3A_1235 : vector<16xf32>
    %get3A_1237 = arith.constant 13 : i32
    %get3A_1238 = arith.index_cast %get3A_1237 : i32 to index
    %get3A_1239 = arith.constant 96 : index
    %get3A_1240 = tpu.vector_load %arg10[%get3A_1238, %get3A_1239] {strides = array<i32>} : memref<16x128xf32, #tpu.memory_space<vmem>>, vector<16xf32>,
    %max3A_1241 = arith.maximumf %max3A_1236, %get3A_1240 : vector<16xf32>
    %get3A_1242 = arith.constant 14 : i32
    %get3A_1243 = arith.index_cast %get3A_1242 : i32 to index
    %get3A_1244 = arith.constant 96 : index
    %get3A_1245 = tpu.vector_load %arg10[%get3A_1243, %get3A_1244] {strides = array<i32>} : memref<16x128xf32, #tpu.memory_space<vmem>>, vector<16xf32>,
    %max3A_1246 = arith.maximumf %max3A_1241, %get3A_1245 : vector<16xf32>
    %get3A_1247 = arith.constant 15 : i32
    %get3A_1248 = arith.index_cast %get3A_1247 : i32 to index
    %get3A_1249 = arith.constant 96 : index
    %get3A_1250 = tpu.vector_load %arg10[%get3A_1248, %get3A_1249] {strides = array<i32>} : memref<16x128xf32, #tpu.memory_space<vmem>>, vector<16xf32>,
    %max3A_1251 = arith.maximumf %max3A_1246, %get3A_1250 : vector<16xf32>
    %swap3A_1252 = arith.constant 96 : index
    %swap3A_1253 = tpu.vector_load %arg11[%swap3A_1252] {strides = array<i32>} : memref<128xf32, #tpu.memory_space<vmem>>, vector<16xf32>,
    tpu.vector_store %arg11[%swap3A_1252], %max3A_1251 {strides = array<i32>} : memref<128xf32, #tpu.memory_space<vmem>>, vector<16xf32>,
    %get3A_1254 = arith.constant 0 : i32
    %get3A_1255 = arith.index_cast %get3A_1254 : i32 to index
    %get3A_1256 = arith.constant 112 : index
    %get3A_1257 = tpu.vector_load %arg10[%get3A_1255, %get3A_1256] {strides = array<i32>} : memref<16x128xf32, #tpu.memory_space<vmem>>, vector<16xf32>,
    %get3A_1258 = arith.constant 1 : i32
    %get3A_1259 = arith.index_cast %get3A_1258 : i32 to index
    %get3A_1260 = arith.constant 112 : index
    %get3A_1261 = tpu.vector_load %arg10[%get3A_1259, %get3A_1260] {strides = array<i32>} : memref<16x128xf32, #tpu.memory_space<vmem>>, vector<16xf32>,
    %max3A_1262 = arith.maximumf %get3A_1257, %get3A_1261 : vector<16xf32>
    %get3A_1263 = arith.constant 2 : i32
    %get3A_1264 = arith.index_cast %get3A_1263 : i32 to index
    %get3A_1265 = arith.constant 112 : index
    %get3A_1266 = tpu.vector_load %arg10[%get3A_1264, %get3A_1265] {strides = array<i32>} : memref<16x128xf32, #tpu.memory_space<vmem>>, vector<16xf32>,
    %max3A_1267 = arith.maximumf %max3A_1262, %get3A_1266 : vector<16xf32>
    %get3A_1268 = arith.constant 3 : i32
    %get3A_1269 = arith.index_cast %get3A_1268 : i32 to index
    %get3A_1270 = arith.constant 112 : index
    %get3A_1271 = tpu.vector_load %arg10[%get3A_1269, %get3A_1270] {strides = array<i32>} : memref<16x128xf32, #tpu.memory_space<vmem>>, vector<16xf32>,
    %max3A_1272 = arith.maximumf %max3A_1267, %get3A_1271 : vector<16xf32>
    %get3A_1273 = arith.constant 4 : i32
    %get3A_1274 = arith.index_cast %get3A_1273 : i32 to index
    %get3A_1275 = arith.constant 112 : index
    %get3A_1276 = tpu.vector_load %arg10[%get3A_1274, %get3A_1275] {strides = array<i32>} : memref<16x128xf32, #tpu.memory_space<vmem>>, vector<16xf32>,
    %max3A_1277 = arith.maximumf %max3A_1272, %get3A_1276 : vector<16xf32>
    %get3A_1278 = arith.constant 5 : i32
    %get3A_1279 = arith.index_cast %get3A_1278 : i32 to index
    %get3A_1280 = arith.constant 112 : index
    %get3A_1281 = tpu.vector_load %arg10[%get3A_1279, %get3A_1280] {strides = array<i32>} : memref<16x128xf32, #tpu.memory_space<vmem>>, vector<16xf32>,
    %max3A_1282 = arith.maximumf %max3A_1277, %get3A_1281 : vector<16xf32>
    %get3A_1283 = arith.constant 6 : i32
    %get3A_1284 = arith.index_cast %get3A_1283 : i32 to index
    %get3A_1285 = arith.constant 112 : index
    %get3A_1286 = tpu.vector_load %arg10[%get3A_1284, %get3A_1285] {strides = array<i32>} : memref<16x128xf32, #tpu.memory_space<vmem>>, vector<16xf32>,
    %max3A_1287 = arith.maximumf %max3A_1282, %get3A_1286 : vector<16xf32>
    %get3A_1288 = arith.constant 7 : i32
    %get3A_1289 = arith.index_cast %get3A_1288 : i32 to index
    %get3A_1290 = arith.constant 112 : index
    %get3A_1291 = tpu.vector_load %arg10[%get3A_1289, %get3A_1290] {strides = array<i32>} : memref<16x128xf32, #tpu.memory_space<vmem>>, vector<16xf32>,
    %max3A_1292 = arith.maximumf %max3A_1287, %get3A_1291 : vector<16xf32>
    %get3A_1293 = arith.constant 8 : i32
    %get3A_1294 = arith.index_cast %get3A_1293 : i32 to index
    %get3A_1295 = arith.constant 112 : index
    %get3A_1296 = tpu.vector_load %arg10[%get3A_1294, %get3A_1295] {strides = array<i32>} : memref<16x128xf32, #tpu.memory_space<vmem>>, vector<16xf32>,
    %max3A_1297 = arith.maximumf %max3A_1292, %get3A_1296 : vector<16xf32>
    %get3A_1298 = arith.constant 9 : i32
    %get3A_1299 = arith.index_cast %get3A_1298 : i32 to index
    %get3A_1300 = arith.constant 112 : index
    %get3A_1301 = tpu.vector_load %arg10[%get3A_1299, %get3A_1300] {strides = array<i32>} : memref<16x128xf32, #tpu.memory_space<vmem>>, vector<16xf32>,
    %max3A_1302 = arith.maximumf %max3A_1297, %get3A_1301 : vector<16xf32>
    %get3A_1303 = arith.constant 10 : i32
    %get3A_1304 = arith.index_cast %get3A_1303 : i32 to index
    %get3A_1305 = arith.constant 112 : index
    %get3A_1306 = tpu.vector_load %arg10[%get3A_1304, %get3A_1305] {strides = array<i32>} : memref<16x128xf32, #tpu.memory_space<vmem>>, vector<16xf32>,
    %max3A_1307 = arith.maximumf %max3A_1302, %get3A_1306 : vector<16xf32>
    %get3A_1308 = arith.constant 11 : i32
    %get3A_1309 = arith.index_cast %get3A_1308 : i32 to index
    %get3A_1310 = arith.constant 112 : index
    %get3A_1311 = tpu.vector_load %arg10[%get3A_1309, %get3A_1310] {strides = array<i32>} : memref<16x128xf32, #tpu.memory_space<vmem>>, vector<16xf32>,
    %max3A_1312 = arith.maximumf %max3A_1307, %get3A_1311 : vector<16xf32>
    %get3A_1313 = arith.constant 12 : i32
    %get3A_1314 = arith.index_cast %get3A_1313 : i32 to index
    %get3A_1315 = arith.constant 112 : index
    %get3A_1316 = tpu.vector_load %arg10[%get3A_1314, %get3A_1315] {strides = array<i32>} : memref<16x128xf32, #tpu.memory_space<vmem>>, vector<16xf32>,
    %max3A_1317 = arith.maximumf %max3A_1312, %get3A_1316 : vector<16xf32>
    %get3A_1318 = arith.constant 13 : i32
    %get3A_1319 = arith.index_cast %get3A_1318 : i32 to index
    %get3A_1320 = arith.constant 112 : index
    %get3A_1321 = tpu.vector_load %arg10[%get3A_1319, %get3A_1320] {strides = array<i32>} : memref<16x128xf32, #tpu.memory_space<vmem>>, vector<16xf32>,
    %max3A_1322 = arith.maximumf %max3A_1317, %get3A_1321 : vector<16xf32>
    %get3A_1323 = arith.constant 14 : i32
    %get3A_1324 = arith.index_cast %get3A_1323 : i32 to index
    %get3A_1325 = arith.constant 112 : index
    %get3A_1326 = tpu.vector_load %arg10[%get3A_1324, %get3A_1325] {strides = array<i32>} : memref<16x128xf32, #tpu.memory_space<vmem>>, vector<16xf32>,
    %max3A_1327 = arith.maximumf %max3A_1322, %get3A_1326 : vector<16xf32>
    %get3A_1328 = arith.constant 15 : i32
    %get3A_1329 = arith.index_cast %get3A_1328 : i32 to index
    %get3A_1330 = arith.constant 112 : index
    %get3A_1331 = tpu.vector_load %arg10[%get3A_1329, %get3A_1330] {strides = array<i32>} : memref<16x128xf32, #tpu.memory_space<vmem>>, vector<16xf32>,
    %max3A_1332 = arith.maximumf %max3A_1327, %get3A_1331 : vector<16xf32>
    %swap3A_1333 = arith.constant 112 : index
    %swap3A_1334 = tpu.vector_load %arg11[%swap3A_1333] {strides = array<i32>} : memref<128xf32, #tpu.memory_space<vmem>>, vector<16xf32>,
    tpu.vector_store %arg11[%swap3A_1333], %max3A_1332 {strides = array<i32>} : memref<128xf32, #tpu.memory_space<vmem>>, vector<16xf32>,
    %dma_wait3A_1335 = arith.constant 0 : i32
    %dma_wait3A_1336 = tpu.memref_slice %arg4[%min3A_1, %dma_wait3A_1335] : memref<1000x128xf32, #tpu.memory_space<hbm>> -> memref<64x128xf32, #tpu.memory_space<hbm>>
    %dma_wait3A_1337 = arith.constant 0 : i32
    %dma_wait3A_1338 = tpu.memref_slice %arg4[%min3A_1, %dma_wait3A_1337] : memref<1000x128xf32, #tpu.memory_space<hbm>> -> memref<64x128xf32, #tpu.memory_space<hbm>>
    tpu.wait_dma2 semaphore(%arg17 : memref<!tpu.dma_semaphore, #tpu.memory_space<semaphore_mem>>) src(%dma_wait3A_1338 : memref<64x128xf32, #tpu.memory_space<hbm>>) dst(%arg12 : memref<64x128xf32, #tpu.memory_space<vmem>>)
    %dma_wait3A_1339 = tpu.memref_slice %arg5[%min3A_1] : memref<1000xf32, #tpu.memory_space<hbm>> -> memref<64xf32, #tpu.memory_space<hbm>>
    %dma_wait3A_1340 = tpu.memref_slice %arg5[%min3A_1] : memref<1000xf32, #tpu.memory_space<hbm>> -> memref<64xf32, #tpu.memory_space<hbm>>
    tpu.wait_dma2 semaphore(%arg18 : memref<!tpu.dma_semaphore, #tpu.memory_space<semaphore_mem>>) src(%dma_wait3A_1340 : memref<64xf32, #tpu.memory_space<hbm>>) dst(%arg13 : memref<64xf32, #tpu.memory_space<vmem>>)
    %get3A_1341 = arith.constant 0 : index
    %get3A_1342 = tpu.vector_load %arg11[%get3A_1341] {strides = array<i32>} : memref<128xf32, #tpu.memory_space<vmem>>, vector<16xf32>,
    %get3A_1343 = arith.constant 16 : index
    %get3A_1344 = tpu.vector_load %arg11[%get3A_1343] {strides = array<i32>} : memref<128xf32, #tpu.memory_space<vmem>>, vector<16xf32>,
    %get3A_1345 = arith.constant 32 : index
    %get3A_1346 = tpu.vector_load %arg11[%get3A_1345] {strides = array<i32>} : memref<128xf32, #tpu.memory_space<vmem>>, vector<16xf32>,
    %get3A_1347 = arith.constant 48 : index
    %get3A_1348 = tpu.vector_load %arg11[%get3A_1347] {strides = array<i32>} : memref<128xf32, #tpu.memory_space<vmem>>, vector<16xf32>,
    %get3A_1349 = arith.constant 64 : index
    %get3A_1350 = tpu.vector_load %arg11[%get3A_1349] {strides = array<i32>} : memref<128xf32, #tpu.memory_space<vmem>>, vector<16xf32>,
    %get3A_1351 = arith.constant 80 : index
    %get3A_1352 = tpu.vector_load %arg11[%get3A_1351] {strides = array<i32>} : memref<128xf32, #tpu.memory_space<vmem>>, vector<16xf32>,
    %get3A_1353 = arith.constant 96 : index
    %get3A_1354 = tpu.vector_load %arg11[%get3A_1353] {strides = array<i32>} : memref<128xf32, #tpu.memory_space<vmem>>, vector<16xf32>,
    %get3A_1355 = arith.constant 112 : index
    %get3A_1356 = tpu.vector_load %arg11[%get3A_1355] {strides = array<i32>} : memref<128xf32, #tpu.memory_space<vmem>>, vector<16xf32>,
    %iota3A = tpu.iota {dimensions = array<i32: 0>} : vector<16xi32>
    %broadcast_in_dim3A = arith.constant 0.000000e+00 : f32
    %broadcast_in_dim3A_1357 = vector.broadcast %broadcast_in_dim3A : f32 to vector<16xf32>
    %scan3A = arith.constant 0 : i32
    %scan3A_1358 = arith.constant 16 : i32
    %scan3A_1359 = arith.addi %scan3A, %scan3A_1358 : i32
    %scan3A_1360 = arith.constant 1 : i32
    %scan3A_1361:4 = scf.for %scan3A_1382 = %scan3A to %scan3A_1359 step %scan3A_1360 iter_args(%scan3A_1383 = %broadcast_in_dim3A_1357, %scan3A_1384 = %broadcast_in_dim3A_1357, %scan3A_1385 = %broadcast_in_dim3A_1357, %scan3A_1386 = %broadcast_in_dim3A_1357) -> (vector<16xf32>, vector<16xf32>, vector<16xf32>, vector<16xf32>)  : i32 {
      %eq3A = vector.broadcast %scan3A_1382 : i32 to vector<16xi32>
      %eq3A_1387 = arith.cmpi eq, %iota3A, %eq3A : vector<16xi32>
      %add3A_1388 = arith.constant 0 : i32
      %add3A_1389 = arith.addi %add3A_1388, %scan3A_1382 : i32
      %get3A_1390 = arith.index_cast %add3A_1389 : i32 to index
      %get3A_1391 = arith.constant 0 : index
      %get3A_1392 = tpu.vector_load %arg12[%get3A_1390, %get3A_1391] {strides = array<i32>} : memref<64x128xf32, #tpu.memory_space<vmem>>, vector<16xf32>,
      %mul3A_1393 = arith.mulf %get3A_1392, %get3A_1342 : vector<16xf32>
      %get3A_1394 = arith.index_cast %add3A_1389 : i32 to index
      %get3A_1395 = arith.constant 16 : index
      %get3A_1396 = tpu.vector_load %arg12[%get3A_1394, %get3A_1395] {strides = array<i32>} : memref<64x128xf32, #tpu.memory_space<vmem>>, vector<16xf32>,
      %mul3A_1397 = arith.mulf %get3A_1396, %get3A_1344 : vector<16xf32>
      %add3A_1398 = arith.addf %mul3A_1393, %mul3A_1397 : vector<16xf32>
      %get3A_1399 = arith.index_cast %add3A_1389 : i32 to index
      %get3A_1400 = arith.constant 32 : index
      %get3A_1401 = tpu.vector_load %arg12[%get3A_1399, %get3A_1400] {strides = array<i32>} : memref<64x128xf32, #tpu.memory_space<vmem>>, vector<16xf32>,
      %mul3A_1402 = arith.mulf %get3A_1401, %get3A_1346 : vector<16xf32>
      %add3A_1403 = arith.addf %add3A_1398, %mul3A_1402 : vector<16xf32>
      %get3A_1404 = arith.index_cast %add3A_1389 : i32 to index
      %get3A_1405 = arith.constant 48 : index
      %get3A_1406 = tpu.vector_load %arg12[%get3A_1404, %get3A_1405] {strides = array<i32>} : memref<64x128xf32, #tpu.memory_space<vmem>>, vector<16xf32>,
      %mul3A_1407 = arith.mulf %get3A_1406, %get3A_1348 : vector<16xf32>
      %add3A_1408 = arith.addf %add3A_1403, %mul3A_1407 : vector<16xf32>
      %get3A_1409 = arith.index_cast %add3A_1389 : i32 to index
      %get3A_1410 = arith.constant 64 : index
      %get3A_1411 = tpu.vector_load %arg12[%get3A_1409, %get3A_1410] {strides = array<i32>} : memref<64x128xf32, #tpu.memory_space<vmem>>, vector<16xf32>,
      %mul3A_1412 = arith.mulf %get3A_1411, %get3A_1350 : vector<16xf32>
      %add3A_1413 = arith.addf %add3A_1408, %mul3A_1412 : vector<16xf32>
      %get3A_1414 = arith.index_cast %add3A_1389 : i32 to index
      %get3A_1415 = arith.constant 80 : index
      %get3A_1416 = tpu.vector_load %arg12[%get3A_1414, %get3A_1415] {strides = array<i32>} : memref<64x128xf32, #tpu.memory_space<vmem>>, vector<16xf32>,
      %mul3A_1417 = arith.mulf %get3A_1416, %get3A_1352 : vector<16xf32>
      %add3A_1418 = arith.addf %add3A_1413, %mul3A_1417 : vector<16xf32>
      %get3A_1419 = arith.index_cast %add3A_1389 : i32 to index
      %get3A_1420 = arith.constant 96 : index
      %get3A_1421 = tpu.vector_load %arg12[%get3A_1419, %get3A_1420] {strides = array<i32>} : memref<64x128xf32, #tpu.memory_space<vmem>>, vector<16xf32>,
      %mul3A_1422 = arith.mulf %get3A_1421, %get3A_1354 : vector<16xf32>
      %add3A_1423 = arith.addf %add3A_1418, %mul3A_1422 : vector<16xf32>
      %get3A_1424 = arith.index_cast %add3A_1389 : i32 to index
      %get3A_1425 = arith.constant 112 : index
      %get3A_1426 = tpu.vector_load %arg12[%get3A_1424, %get3A_1425] {strides = array<i32>} : memref<64x128xf32, #tpu.memory_space<vmem>>, vector<16xf32>,
      %mul3A_1427 = arith.mulf %get3A_1426, %get3A_1356 : vector<16xf32>
      %add3A_1428 = arith.addf %add3A_1423, %mul3A_1427 : vector<16xf32>
      %iota3A_1429 = tpu.iota {dimensions = array<i32: 0>} : vector<16xi32>
      %xor3A = arith.constant 1 : i32
      %xor3A_1430 = vector.broadcast %xor3A : i32 to vector<16xi32>
      %xor3A_1431 = arith.xori %iota3A_1429, %xor3A_1430 : vector<16xi32>
      %reshape3A = vector.shape_cast %xor3A_1431 : vector<16xi32> to vector<16x1xi32>
      %gather3A = vector.shape_cast %reshape3A : vector<16x1xi32> to vector<16xi32>
      %gather3A_1432 = tpu.dynamic_gather %add3A_1428[%gather3A] in [0] : vector<16xf32>, vector<16xi32> -> vector<16xf32>
      %add3A_1433 = arith.addf %add3A_1428, %gather3A_1432 : vector<16xf32>
      %iota3A_1434 = tpu.iota {dimensions = array<i32: 0>} : vector<16xi32>
      %xor3A_1435 = arith.constant 2 : i32
      %xor3A_1436 = vector.broadcast %xor3A_1435 : i32 to vector<16xi32>
      %xor3A_1437 = arith.xori %iota3A_1434, %xor3A_1436 : vector<16xi32>
      %reshape3A_1438 = vector.shape_cast %xor3A_1437 : vector<16xi32> to vector<16x1xi32>
      %gather3A_1439 = vector.shape_cast %reshape3A_1438 : vector<16x1xi32> to vector<16xi32>
      %gather3A_1440 = tpu.dynamic_gather %add3A_1433[%gather3A_1439] in [0] : vector<16xf32>, vector<16xi32> -> vector<16xf32>
      %add3A_1441 = arith.addf %add3A_1433, %gather3A_1440 : vector<16xf32>
      %iota3A_1442 = tpu.iota {dimensions = array<i32: 0>} : vector<16xi32>
      %xor3A_1443 = arith.constant 4 : i32
      %xor3A_1444 = vector.broadcast %xor3A_1443 : i32 to vector<16xi32>
      %xor3A_1445 = arith.xori %iota3A_1442, %xor3A_1444 : vector<16xi32>
      %reshape3A_1446 = vector.shape_cast %xor3A_1445 : vector<16xi32> to vector<16x1xi32>
      %gather3A_1447 = vector.shape_cast %reshape3A_1446 : vector<16x1xi32> to vector<16xi32>
      %gather3A_1448 = tpu.dynamic_gather %add3A_1441[%gather3A_1447] in [0] : vector<16xf32>, vector<16xi32> -> vector<16xf32>
      %add3A_1449 = arith.addf %add3A_1441, %gather3A_1448 : vector<16xf32>
      %iota3A_1450 = tpu.iota {dimensions = array<i32: 0>} : vector<16xi32>
      %xor3A_1451 = arith.constant 8 : i32
      %xor3A_1452 = vector.broadcast %xor3A_1451 : i32 to vector<16xi32>
      %xor3A_1453 = arith.xori %iota3A_1450, %xor3A_1452 : vector<16xi32>
      %reshape3A_1454 = vector.shape_cast %xor3A_1453 : vector<16xi32> to vector<16x1xi32>
      %gather3A_1455 = vector.shape_cast %reshape3A_1454 : vector<16x1xi32> to vector<16xi32>
      %gather3A_1456 = tpu.dynamic_gather %add3A_1449[%gather3A_1455] in [0] : vector<16xf32>, vector<16xi32> -> vector<16xf32>
      %add3A_1457 = arith.addf %add3A_1449, %gather3A_1456 : vector<16xf32>
      %select_n3A = arith.select %eq3A_1387, %add3A_1457, %scan3A_1383 : vector<16xi1>, vector<16xf32>
      %add3A_1458 = arith.constant 16 : i32
      %add3A_1459 = arith.addi %add3A_1458, %scan3A_1382 : i32
      %get3A_1460 = arith.index_cast %add3A_1459 : i32 to index
      %get3A_1461 = arith.constant 0 : index
      %get3A_1462 = tpu.vector_load %arg12[%get3A_1460, %get3A_1461] {strides = array<i32>} : memref<64x128xf32, #tpu.memory_space<vmem>>, vector<16xf32>,
      %mul3A_1463 = arith.mulf %get3A_1462, %get3A_1342 : vector<16xf32>
      %get3A_1464 = arith.index_cast %add3A_1459 : i32 to index
      %get3A_1465 = arith.constant 16 : index
      %get3A_1466 = tpu.vector_load %arg12[%get3A_1464, %get3A_1465] {strides = array<i32>} : memref<64x128xf32, #tpu.memory_space<vmem>>, vector<16xf32>,
      %mul3A_1467 = arith.mulf %get3A_1466, %get3A_1344 : vector<16xf32>
      %add3A_1468 = arith.addf %mul3A_1463, %mul3A_1467 : vector<16xf32>
      %get3A_1469 = arith.index_cast %add3A_1459 : i32 to index
      %get3A_1470 = arith.constant 32 : index
      %get3A_1471 = tpu.vector_load %arg12[%get3A_1469, %get3A_1470] {strides = array<i32>} : memref<64x128xf32, #tpu.memory_space<vmem>>, vector<16xf32>,
      %mul3A_1472 = arith.mulf %get3A_1471, %get3A_1346 : vector<16xf32>
      %add3A_1473 = arith.addf %add3A_1468, %mul3A_1472 : vector<16xf32>
      %get3A_1474 = arith.index_cast %add3A_1459 : i32 to index
      %get3A_1475 = arith.constant 48 : index
      %get3A_1476 = tpu.vector_load %arg12[%get3A_1474, %get3A_1475] {strides = array<i32>} : memref<64x128xf32, #tpu.memory_space<vmem>>, vector<16xf32>,
      %mul3A_1477 = arith.mulf %get3A_1476, %get3A_1348 : vector<16xf32>
      %add3A_1478 = arith.addf %add3A_1473, %mul3A_1477 : vector<16xf32>
      %get3A_1479 = arith.index_cast %add3A_1459 : i32 to index
      %get3A_1480 = arith.constant 64 : index
      %get3A_1481 = tpu.vector_load %arg12[%get3A_1479, %get3A_1480] {strides = array<i32>} : memref<64x128xf32, #tpu.memory_space<vmem>>, vector<16xf32>,
      %mul3A_1482 = arith.mulf %get3A_1481, %get3A_1350 : vector<16xf32>
      %add3A_1483 = arith.addf %add3A_1478, %mul3A_1482 : vector<16xf32>
      %get3A_1484 = arith.index_cast %add3A_1459 : i32 to index
      %get3A_1485 = arith.constant 80 : index
      %get3A_1486 = tpu.vector_load %arg12[%get3A_1484, %get3A_1485] {strides = array<i32>} : memref<64x128xf32, #tpu.memory_space<vmem>>, vector<16xf32>,
      %mul3A_1487 = arith.mulf %get3A_1486, %get3A_1352 : vector<16xf32>
      %add3A_1488 = arith.addf %add3A_1483, %mul3A_1487 : vector<16xf32>
      %get3A_1489 = arith.index_cast %add3A_1459 : i32 to index
      %get3A_1490 = arith.constant 96 : index
      %get3A_1491 = tpu.vector_load %arg12[%get3A_1489, %get3A_1490] {strides = array<i32>} : memref<64x128xf32, #tpu.memory_space<vmem>>, vector<16xf32>,
      %mul3A_1492 = arith.mulf %get3A_1491, %get3A_1354 : vector<16xf32>
      %add3A_1493 = arith.addf %add3A_1488, %mul3A_1492 : vector<16xf32>
      %get3A_1494 = arith.index_cast %add3A_1459 : i32 to index
      %get3A_1495 = arith.constant 112 : index
      %get3A_1496 = tpu.vector_load %arg12[%get3A_1494, %get3A_1495] {strides = array<i32>} : memref<64x128xf32, #tpu.memory_space<vmem>>, vector<16xf32>,
      %mul3A_1497 = arith.mulf %get3A_1496, %get3A_1356 : vector<16xf32>
      %add3A_1498 = arith.addf %add3A_1493, %mul3A_1497 : vector<16xf32>
      %iota3A_1499 = tpu.iota {dimensions = array<i32: 0>} : vector<16xi32>
      %xor3A_1500 = arith.constant 1 : i32
      %xor3A_1501 = vector.broadcast %xor3A_1500 : i32 to vector<16xi32>
      %xor3A_1502 = arith.xori %iota3A_1499, %xor3A_1501 : vector<16xi32>
      %reshape3A_1503 = vector.shape_cast %xor3A_1502 : vector<16xi32> to vector<16x1xi32>
      %gather3A_1504 = vector.shape_cast %reshape3A_1503 : vector<16x1xi32> to vector<16xi32>
      %gather3A_1505 = tpu.dynamic_gather %add3A_1498[%gather3A_1504] in [0] : vector<16xf32>, vector<16xi32> -> vector<16xf32>
      %add3A_1506 = arith.addf %add3A_1498, %gather3A_1505 : vector<16xf32>
      %iota3A_1507 = tpu.iota {dimensions = array<i32: 0>} : vector<16xi32>
      %xor3A_1508 = arith.constant 2 : i32
      %xor3A_1509 = vector.broadcast %xor3A_1508 : i32 to vector<16xi32>
      %xor3A_1510 = arith.xori %iota3A_1507, %xor3A_1509 : vector<16xi32>
      %reshape3A_1511 = vector.shape_cast %xor3A_1510 : vector<16xi32> to vector<16x1xi32>
      %gather3A_1512 = vector.shape_cast %reshape3A_1511 : vector<16x1xi32> to vector<16xi32>
      %gather3A_1513 = tpu.dynamic_gather %add3A_1506[%gather3A_1512] in [0] : vector<16xf32>, vector<16xi32> -> vector<16xf32>
      %add3A_1514 = arith.addf %add3A_1506, %gather3A_1513 : vector<16xf32>
      %iota3A_1515 = tpu.iota {dimensions = array<i32: 0>} : vector<16xi32>
      %xor3A_1516 = arith.constant 4 : i32
      %xor3A_1517 = vector.broadcast %xor3A_1516 : i32 to vector<16xi32>
      %xor3A_1518 = arith.xori %iota3A_1515, %xor3A_1517 : vector<16xi32>
      %reshape3A_1519 = vector.shape_cast %xor3A_1518 : vector<16xi32> to vector<16x1xi32>
      %gather3A_1520 = vector.shape_cast %reshape3A_1519 : vector<16x1xi32> to vector<16xi32>
      %gather3A_1521 = tpu.dynamic_gather %add3A_1514[%gather3A_1520] in [0] : vector<16xf32>, vector<16xi32> -> vector<16xf32>
      %add3A_1522 = arith.addf %add3A_1514, %gather3A_1521 : vector<16xf32>
      %iota3A_1523 = tpu.iota {dimensions = array<i32: 0>} : vector<16xi32>
      %xor3A_1524 = arith.constant 8 : i32
      %xor3A_1525 = vector.broadcast %xor3A_1524 : i32 to vector<16xi32>
      %xor3A_1526 = arith.xori %iota3A_1523, %xor3A_1525 : vector<16xi32>
      %reshape3A_1527 = vector.shape_cast %xor3A_1526 : vector<16xi32> to vector<16x1xi32>
      %gather3A_1528 = vector.shape_cast %reshape3A_1527 : vector<16x1xi32> to vector<16xi32>
      %gather3A_1529 = tpu.dynamic_gather %add3A_1522[%gather3A_1528] in [0] : vector<16xf32>, vector<16xi32> -> vector<16xf32>
      %add3A_1530 = arith.addf %add3A_1522, %gather3A_1529 : vector<16xf32>
      %select_n3A_1531 = arith.select %eq3A_1387, %add3A_1530, %scan3A_1384 : vector<16xi1>, vector<16xf32>
      %add3A_1532 = arith.constant 32 : i32
      %add3A_1533 = arith.addi %add3A_1532, %scan3A_1382 : i32
      %get3A_1534 = arith.index_cast %add3A_1533 : i32 to index
      %get3A_1535 = arith.constant 0 : index
      %get3A_1536 = tpu.vector_load %arg12[%get3A_1534, %get3A_1535] {strides = array<i32>} : memref<64x128xf32, #tpu.memory_space<vmem>>, vector<16xf32>,
      %mul3A_1537 = arith.mulf %get3A_1536, %get3A_1342 : vector<16xf32>
      %get3A_1538 = arith.index_cast %add3A_1533 : i32 to index
      %get3A_1539 = arith.constant 16 : index
      %get3A_1540 = tpu.vector_load %arg12[%get3A_1538, %get3A_1539] {strides = array<i32>} : memref<64x128xf32, #tpu.memory_space<vmem>>, vector<16xf32>,
      %mul3A_1541 = arith.mulf %get3A_1540, %get3A_1344 : vector<16xf32>
      %add3A_1542 = arith.addf %mul3A_1537, %mul3A_1541 : vector<16xf32>
      %get3A_1543 = arith.index_cast %add3A_1533 : i32 to index
      %get3A_1544 = arith.constant 32 : index
      %get3A_1545 = tpu.vector_load %arg12[%get3A_1543, %get3A_1544] {strides = array<i32>} : memref<64x128xf32, #tpu.memory_space<vmem>>, vector<16xf32>,
      %mul3A_1546 = arith.mulf %get3A_1545, %get3A_1346 : vector<16xf32>
      %add3A_1547 = arith.addf %add3A_1542, %mul3A_1546 : vector<16xf32>
      %get3A_1548 = arith.index_cast %add3A_1533 : i32 to index
      %get3A_1549 = arith.constant 48 : index
      %get3A_1550 = tpu.vector_load %arg12[%get3A_1548, %get3A_1549] {strides = array<i32>} : memref<64x128xf32, #tpu.memory_space<vmem>>, vector<16xf32>,
      %mul3A_1551 = arith.mulf %get3A_1550, %get3A_1348 : vector<16xf32>
      %add3A_1552 = arith.addf %add3A_1547, %mul3A_1551 : vector<16xf32>
      %get3A_1553 = arith.index_cast %add3A_1533 : i32 to index
      %get3A_1554 = arith.constant 64 : index
      %get3A_1555 = tpu.vector_load %arg12[%get3A_1553, %get3A_1554] {strides = array<i32>} : memref<64x128xf32, #tpu.memory_space<vmem>>, vector<16xf32>,
      %mul3A_1556 = arith.mulf %get3A_1555, %get3A_1350 : vector<16xf32>
      %add3A_1557 = arith.addf %add3A_1552, %mul3A_1556 : vector<16xf32>
      %get3A_1558 = arith.index_cast %add3A_1533 : i32 to index
      %get3A_1559 = arith.constant 80 : index
      %get3A_1560 = tpu.vector_load %arg12[%get3A_1558, %get3A_1559] {strides = array<i32>} : memref<64x128xf32, #tpu.memory_space<vmem>>, vector<16xf32>,
      %mul3A_1561 = arith.mulf %get3A_1560, %get3A_1352 : vector<16xf32>
      %add3A_1562 = arith.addf %add3A_1557, %mul3A_1561 : vector<16xf32>
      %get3A_1563 = arith.index_cast %add3A_1533 : i32 to index
      %get3A_1564 = arith.constant 96 : index
      %get3A_1565 = tpu.vector_load %arg12[%get3A_1563, %get3A_1564] {strides = array<i32>} : memref<64x128xf32, #tpu.memory_space<vmem>>, vector<16xf32>,
      %mul3A_1566 = arith.mulf %get3A_1565, %get3A_1354 : vector<16xf32>
      %add3A_1567 = arith.addf %add3A_1562, %mul3A_1566 : vector<16xf32>
      %get3A_1568 = arith.index_cast %add3A_1533 : i32 to index
      %get3A_1569 = arith.constant 112 : index
      %get3A_1570 = tpu.vector_load %arg12[%get3A_1568, %get3A_1569] {strides = array<i32>} : memref<64x128xf32, #tpu.memory_space<vmem>>, vector<16xf32>,
      %mul3A_1571 = arith.mulf %get3A_1570, %get3A_1356 : vector<16xf32>
      %add3A_1572 = arith.addf %add3A_1567, %mul3A_1571 : vector<16xf32>
      %iota3A_1573 = tpu.iota {dimensions = array<i32: 0>} : vector<16xi32>
      %xor3A_1574 = arith.constant 1 : i32
      %xor3A_1575 = vector.broadcast %xor3A_1574 : i32 to vector<16xi32>
      %xor3A_1576 = arith.xori %iota3A_1573, %xor3A_1575 : vector<16xi32>
      %reshape3A_1577 = vector.shape_cast %xor3A_1576 : vector<16xi32> to vector<16x1xi32>
      %gather3A_1578 = vector.shape_cast %reshape3A_1577 : vector<16x1xi32> to vector<16xi32>
      %gather3A_1579 = tpu.dynamic_gather %add3A_1572[%gather3A_1578] in [0] : vector<16xf32>, vector<16xi32> -> vector<16xf32>
      %add3A_1580 = arith.addf %add3A_1572, %gather3A_1579 : vector<16xf32>
      %iota3A_1581 = tpu.iota {dimensions = array<i32: 0>} : vector<16xi32>
      %xor3A_1582 = arith.constant 2 : i32
      %xor3A_1583 = vector.broadcast %xor3A_1582 : i32 to vector<16xi32>
      %xor3A_1584 = arith.xori %iota3A_1581, %xor3A_1583 : vector<16xi32>
      %reshape3A_1585 = vector.shape_cast %xor3A_1584 : vector<16xi32> to vector<16x1xi32>
      %gather3A_1586 = vector.shape_cast %reshape3A_1585 : vector<16x1xi32> to vector<16xi32>
      %gather3A_1587 = tpu.dynamic_gather %add3A_1580[%gather3A_1586] in [0] : vector<16xf32>, vector<16xi32> -> vector<16xf32>
      %add3A_1588 = arith.addf %add3A_1580, %gather3A_1587 : vector<16xf32>
      %iota3A_1589 = tpu.iota {dimensions = array<i32: 0>} : vector<16xi32>
      %xor3A_1590 = arith.constant 4 : i32
      %xor3A_1591 = vector.broadcast %xor3A_1590 : i32 to vector<16xi32>
      %xor3A_1592 = arith.xori %iota3A_1589, %xor3A_1591 : vector<16xi32>
      %reshape3A_1593 = vector.shape_cast %xor3A_1592 : vector<16xi32> to vector<16x1xi32>
      %gather3A_1594 = vector.shape_cast %reshape3A_1593 : vector<16x1xi32> to vector<16xi32>
      %gather3A_1595 = tpu.dynamic_gather %add3A_1588[%gather3A_1594] in [0] : vector<16xf32>, vector<16xi32> -> vector<16xf32>
      %add3A_1596 = arith.addf %add3A_1588, %gather3A_1595 : vector<16xf32>
      %iota3A_1597 = tpu.iota {dimensions = array<i32: 0>} : vector<16xi32>
      %xor3A_1598 = arith.constant 8 : i32
      %xor3A_1599 = vector.broadcast %xor3A_1598 : i32 to vector<16xi32>
      %xor3A_1600 = arith.xori %iota3A_1597, %xor3A_1599 : vector<16xi32>
      %reshape3A_1601 = vector.shape_cast %xor3A_1600 : vector<16xi32> to vector<16x1xi32>
      %gather3A_1602 = vector.shape_cast %reshape3A_1601 : vector<16x1xi32> to vector<16xi32>
      %gather3A_1603 = tpu.dynamic_gather %add3A_1596[%gather3A_1602] in [0] : vector<16xf32>, vector<16xi32> -> vector<16xf32>
      %add3A_1604 = arith.addf %add3A_1596, %gather3A_1603 : vector<16xf32>
      %select_n3A_1605 = arith.select %eq3A_1387, %add3A_1604, %scan3A_1385 : vector<16xi1>, vector<16xf32>
      %add3A_1606 = arith.constant 48 : i32
      %add3A_1607 = arith.addi %add3A_1606, %scan3A_1382 : i32
      %get3A_1608 = arith.index_cast %add3A_1607 : i32 to index
      %get3A_1609 = arith.constant 0 : index
      %get3A_1610 = tpu.vector_load %arg12[%get3A_1608, %get3A_1609] {strides = array<i32>} : memref<64x128xf32, #tpu.memory_space<vmem>>, vector<16xf32>,
      %mul3A_1611 = arith.mulf %get3A_1610, %get3A_1342 : vector<16xf32>
      %get3A_1612 = arith.index_cast %add3A_1607 : i32 to index
      %get3A_1613 = arith.constant 16 : index
      %get3A_1614 = tpu.vector_load %arg12[%get3A_1612, %get3A_1613] {strides = array<i32>} : memref<64x128xf32, #tpu.memory_space<vmem>>, vector<16xf32>,
      %mul3A_1615 = arith.mulf %get3A_1614, %get3A_1344 : vector<16xf32>
      %add3A_1616 = arith.addf %mul3A_1611, %mul3A_1615 : vector<16xf32>
      %get3A_1617 = arith.index_cast %add3A_1607 : i32 to index
      %get3A_1618 = arith.constant 32 : index
      %get3A_1619 = tpu.vector_load %arg12[%get3A_1617, %get3A_1618] {strides = array<i32>} : memref<64x128xf32, #tpu.memory_space<vmem>>, vector<16xf32>,
      %mul3A_1620 = arith.mulf %get3A_1619, %get3A_1346 : vector<16xf32>
      %add3A_1621 = arith.addf %add3A_1616, %mul3A_1620 : vector<16xf32>
      %get3A_1622 = arith.index_cast %add3A_1607 : i32 to index
      %get3A_1623 = arith.constant 48 : index
      %get3A_1624 = tpu.vector_load %arg12[%get3A_1622, %get3A_1623] {strides = array<i32>} : memref<64x128xf32, #tpu.memory_space<vmem>>, vector<16xf32>,
      %mul3A_1625 = arith.mulf %get3A_1624, %get3A_1348 : vector<16xf32>
      %add3A_1626 = arith.addf %add3A_1621, %mul3A_1625 : vector<16xf32>
      %get3A_1627 = arith.index_cast %add3A_1607 : i32 to index
      %get3A_1628 = arith.constant 64 : index
      %get3A_1629 = tpu.vector_load %arg12[%get3A_1627, %get3A_1628] {strides = array<i32>} : memref<64x128xf32, #tpu.memory_space<vmem>>, vector<16xf32>,
      %mul3A_1630 = arith.mulf %get3A_1629, %get3A_1350 : vector<16xf32>
      %add3A_1631 = arith.addf %add3A_1626, %mul3A_1630 : vector<16xf32>
      %get3A_1632 = arith.index_cast %add3A_1607 : i32 to index
      %get3A_1633 = arith.constant 80 : index
      %get3A_1634 = tpu.vector_load %arg12[%get3A_1632, %get3A_1633] {strides = array<i32>} : memref<64x128xf32, #tpu.memory_space<vmem>>, vector<16xf32>,
      %mul3A_1635 = arith.mulf %get3A_1634, %get3A_1352 : vector<16xf32>
      %add3A_1636 = arith.addf %add3A_1631, %mul3A_1635 : vector<16xf32>
      %get3A_1637 = arith.index_cast %add3A_1607 : i32 to index
      %get3A_1638 = arith.constant 96 : index
      %get3A_1639 = tpu.vector_load %arg12[%get3A_1637, %get3A_1638] {strides = array<i32>} : memref<64x128xf32, #tpu.memory_space<vmem>>, vector<16xf32>,
      %mul3A_1640 = arith.mulf %get3A_1639, %get3A_1354 : vector<16xf32>
      %add3A_1641 = arith.addf %add3A_1636, %mul3A_1640 : vector<16xf32>
      %get3A_1642 = arith.index_cast %add3A_1607 : i32 to index
      %get3A_1643 = arith.constant 112 : index
      %get3A_1644 = tpu.vector_load %arg12[%get3A_1642, %get3A_1643] {strides = array<i32>} : memref<64x128xf32, #tpu.memory_space<vmem>>, vector<16xf32>,
      %mul3A_1645 = arith.mulf %get3A_1644, %get3A_1356 : vector<16xf32>
      %add3A_1646 = arith.addf %add3A_1641, %mul3A_1645 : vector<16xf32>
      %iota3A_1647 = tpu.iota {dimensions = array<i32: 0>} : vector<16xi32>
      %xor3A_1648 = arith.constant 1 : i32
      %xor3A_1649 = vector.broadcast %xor3A_1648 : i32 to vector<16xi32>
      %xor3A_1650 = arith.xori %iota3A_1647, %xor3A_1649 : vector<16xi32>
      %reshape3A_1651 = vector.shape_cast %xor3A_1650 : vector<16xi32> to vector<16x1xi32>
      %gather3A_1652 = vector.shape_cast %reshape3A_1651 : vector<16x1xi32> to vector<16xi32>
      %gather3A_1653 = tpu.dynamic_gather %add3A_1646[%gather3A_1652] in [0] : vector<16xf32>, vector<16xi32> -> vector<16xf32>
      %add3A_1654 = arith.addf %add3A_1646, %gather3A_1653 : vector<16xf32>
      %iota3A_1655 = tpu.iota {dimensions = array<i32: 0>} : vector<16xi32>
      %xor3A_1656 = arith.constant 2 : i32
      %xor3A_1657 = vector.broadcast %xor3A_1656 : i32 to vector<16xi32>
      %xor3A_1658 = arith.xori %iota3A_1655, %xor3A_1657 : vector<16xi32>
      %reshape3A_1659 = vector.shape_cast %xor3A_1658 : vector<16xi32> to vector<16x1xi32>
      %gather3A_1660 = vector.shape_cast %reshape3A_1659 : vector<16x1xi32> to vector<16xi32>
      %gather3A_1661 = tpu.dynamic_gather %add3A_1654[%gather3A_1660] in [0] : vector<16xf32>, vector<16xi32> -> vector<16xf32>
      %add3A_1662 = arith.addf %add3A_1654, %gather3A_1661 : vector<16xf32>
      %iota3A_1663 = tpu.iota {dimensions = array<i32: 0>} : vector<16xi32>
      %xor3A_1664 = arith.constant 4 : i32
      %xor3A_1665 = vector.broadcast %xor3A_1664 : i32 to vector<16xi32>
      %xor3A_1666 = arith.xori %iota3A_1663, %xor3A_1665 : vector<16xi32>
      %reshape3A_1667 = vector.shape_cast %xor3A_1666 : vector<16xi32> to vector<16x1xi32>
      %gather3A_1668 = vector.shape_cast %reshape3A_1667 : vector<16x1xi32> to vector<16xi32>
      %gather3A_1669 = tpu.dynamic_gather %add3A_1662[%gather3A_1668] in [0] : vector<16xf32>, vector<16xi32> -> vector<16xf32>
      %add3A_1670 = arith.addf %add3A_1662, %gather3A_1669 : vector<16xf32>
      %iota3A_1671 = tpu.iota {dimensions = array<i32: 0>} : vector<16xi32>
      %xor3A_1672 = arith.constant 8 : i32
      %xor3A_1673 = vector.broadcast %xor3A_1672 : i32 to vector<16xi32>
      %xor3A_1674 = arith.xori %iota3A_1671, %xor3A_1673 : vector<16xi32>
      %reshape3A_1675 = vector.shape_cast %xor3A_1674 : vector<16xi32> to vector<16x1xi32>
      %gather3A_1676 = vector.shape_cast %reshape3A_1675 : vector<16x1xi32> to vector<16xi32>
      %gather3A_1677 = tpu.dynamic_gather %add3A_1670[%gather3A_1676] in [0] : vector<16xf32>, vector<16xi32> -> vector<16xf32>
      %add3A_1678 = arith.addf %add3A_1670, %gather3A_1677 : vector<16xf32>
      %select_n3A_1679 = arith.select %eq3A_1387, %add3A_1678, %scan3A_1386 : vector<16xi1>, vector<16xf32>
      scf.yield %select_n3A, %select_n3A_1531, %select_n3A_1605, %select_n3A_1679 : vector<16xf32>, vector<16xf32>, vector<16xf32>, vector<16xf32>
    }
    %scan3A_1362 = arith.constant 16 : i32
    %get3A_1363 = arith.constant 0 : index
    %get3A_1364 = tpu.vector_load %arg13[%get3A_1363] {strides = array<i32>} : memref<64xf32, #tpu.memory_space<vmem>>, vector<16xf32>,
    %add3A = arith.addf %scan3A_1361#0, %get3A_1364 : vector<16xf32>
    %swap3A_1365 = arith.constant 0 : index
    %swap3A_1366 = tpu.vector_load %arg14[%swap3A_1365] {strides = array<i32>} : memref<64xf32, #tpu.memory_space<vmem>>, vector<16xf32>,
    tpu.vector_store %arg14[%swap3A_1365], %add3A {strides = array<i32>} : memref<64xf32, #tpu.memory_space<vmem>>, vector<16xf32>,
    %get3A_1367 = arith.constant 16 : index
    %get3A_1368 = tpu.vector_load %arg13[%get3A_1367] {strides = array<i32>} : memref<64xf32, #tpu.memory_space<vmem>>, vector<16xf32>,
    %add3A_1369 = arith.addf %scan3A_1361#1, %get3A_1368 : vector<16xf32>
    %swap3A_1370 = arith.constant 16 : index
    %swap3A_1371 = tpu.vector_load %arg14[%swap3A_1370] {strides = array<i32>} : memref<64xf32, #tpu.memory_space<vmem>>, vector<16xf32>,
    tpu.vector_store %arg14[%swap3A_1370], %add3A_1369 {strides = array<i32>} : memref<64xf32, #tpu.memory_space<vmem>>, vector<16xf32>,
    %get3A_1372 = arith.constant 32 : index
    %get3A_1373 = tpu.vector_load %arg13[%get3A_1372] {strides = array<i32>} : memref<64xf32, #tpu.memory_space<vmem>>, vector<16xf32>,
    %add3A_1374 = arith.addf %scan3A_1361#2, %get3A_1373 : vector<16xf32>
    %swap3A_1375 = arith.constant 32 : index
    %swap3A_1376 = tpu.vector_load %arg14[%swap3A_1375] {strides = array<i32>} : memref<64xf32, #tpu.memory_space<vmem>>, vector<16xf32>,
    tpu.vector_store %arg14[%swap3A_1375], %add3A_1374 {strides = array<i32>} : memref<64xf32, #tpu.memory_space<vmem>>, vector<16xf32>,
    %get3A_1377 = arith.constant 48 : index
    %get3A_1378 = tpu.vector_load %arg13[%get3A_1377] {strides = array<i32>} : memref<64xf32, #tpu.memory_space<vmem>>, vector<16xf32>,
    %add3A_1379 = arith.addf %scan3A_1361#3, %get3A_1378 : vector<16xf32>
    %swap3A_1380 = arith.constant 48 : index
    %swap3A_1381 = tpu.vector_load %arg14[%swap3A_1380] {strides = array<i32>} : memref<64xf32, #tpu.memory_space<vmem>>, vector<16xf32>,
    tpu.vector_store %arg14[%swap3A_1380], %add3A_1379 {strides = array<i32>} : memref<64xf32, #tpu.memory_space<vmem>>, vector<16xf32>,
    "tpu.region"() ({
      %run_scoped3A = tpu.sem_alloc : memref<!tpu.dma_semaphore, #tpu.memory_space<semaphore_mem>>
      %dma_start3A_1382 = tpu.memref_slice %arg6[%min3A_1] : memref<1000xf32, #tpu.memory_space<hbm>> -> memref<64xf32, #tpu.memory_space<hbm>>
      %dma_start3A_1383 = tpu.memref_slice %arg6[%min3A_1] : memref<1000xf32, #tpu.memory_space<hbm>> -> memref<64xf32, #tpu.memory_space<hbm>>
      tpu.enqueue_dma source(%arg14 : memref<64xf32, #tpu.memory_space<vmem>>) target(%dma_start3A_1383 : memref<64xf32, #tpu.memory_space<hbm>>) target_semaphore(%run_scoped3A : memref<!tpu.dma_semaphore, #tpu.memory_space<semaphore_mem>>)
      %dma_wait3A_1384 = tpu.memref_slice %arg6[%min3A_1] : memref<1000xf32, #tpu.memory_space<hbm>> -> memref<64xf32, #tpu.memory_space<hbm>>
      %dma_wait3A_1385 = tpu.memref_slice %arg6[%min3A_1] : memref<1000xf32, #tpu.memory_space<hbm>> -> memref<64xf32, #tpu.memory_space<hbm>>
      tpu.wait_dma2 semaphore(%run_scoped3A : memref<!tpu.dma_semaphore, #tpu.memory_space<semaphore_mem>>) src(%arg14 : memref<64xf32, #tpu.memory_space<vmem>>) dst(%dma_wait3A_1385 : memref<64xf32, #tpu.memory_space<hbm>>)
      tpu.yield
    }) : () -> ()
    return
  }
}

</mosaic_0001>

<sc_bundles>
// kernel: kernel.3.cloned.1.call-start
scs
__scs_entry_jumppad:
0x0: {  	(pc) =	sbr.rel $0x88, $3  }
0x1: {  	(tag) =	ssettag $0x0;
	lr =	simm.s32 $0x1  }
0x2: {  	[smem:$0x3F9D] =	sst lr;
	_ =	strace $0xD0000000  }
0x3: {  	_ = 	snop  }
0x4: {  	_ = 	snop  }
0x5: {  	_ = 	snop  }
0x6: {  	_ = 	snop  }
0x7: {  	_ = 	snop  }
__scs_overlays_trampoline_lowered:
0x8: {  	[smem:$0x3FAC] =	sst s0  }
0x9: {  	[smem:$0x3FAD] =	sst s1  }
0xa: {  	[smem:$0x3FAE] =	sst s2  }
0xb: {  	[smem:$0x3FAF] =	sst s3  }
0xc: {  	[smem:$0x3FB0] =	sst s4  }
0xd: {  	[smem:$0x3FB1] =	sst s5  }
0xe: {  	[smem:$0x3FB2] =	sst s6  }
0xf: {  	[smem:$0x3FB3] =	sst s7  }
0x10: {  	[smem:$0x3FB4] =	sst s8  }
0x11: {  	[smem:$0x3FB5] =	sst s9;
	s0 =	simm.s32 @!p0 $0x0  }
0x12: {  	s1 =	sld [smem:$0x3F9B];
	s0 =	simm.s32 @p0 $0x1  }
0x13: {  	[smem:$0x3FB6] =	sst s0;
	s0 =	simm.s32 @!p1 $0x0  }
0x14: {  	s2 =	sld [smem:$0x3F9A];
	s0 =	simm.s32 @p1 $0x1  }
0x15: {  	[smem:$0x3FB7] =	sst s0;
	s0 =	simm.s32 @!p2 $0x0  }
0x16: {  	s3 =	sld [smem:$0x3FDB];
	s0 =	simm.s32 @p2 $0x1  }
0x17: {  	s4 =	simm.s32 $0x1BF5;
	[smem:$0x3FB9] =	sst s0  }
0x18: {  	s0 =	sld [smem:$0x3F9C];
	_ =	swait.ge [sflag:s4], $0x0  }
0x19: {  	s7 =	sld [smem:$0x3F9D]  }
0x1a: {  	s8 =	sadd.s32 $0xFFFFE003, lr  }
0x1b: {  	s9 =	sadd.s32 $0xFFFFFEF7, lr;
	s5 =	simm.s32 $0xFFFFFFFF;
	p2 =	slt.u32 s8, $0xFFFFF086  }
0x1c: {  	p1 =	slt.u32 s9, $0xF7A;
	s5 =	simm.s32 @!p2 $0x0  }
0x1d: {  	s5 =	simm.s32 @p1 $0x1;
	p0 =	seq.s32 s7, s2  }
0x1e: {  	s7 =	smul.u32 @!p0 $0xF7A, s2;
	p2 =	seq.s32 @!p0 s5, $0x0  }
0x1f: {  	s9 =	smul.u32 $0xF7A, s1;
	s8 =	simm.s32 @!p0 $0x1BF5;
	p2 =	por !p2, p0  }
0x20: {  	[sflag:s8] =	ssyncset.s32 @!p0 $0xFFFFF086;
	s6 =	sadd.s32 @!p0 s3, s7;
	s7 =	simm.s32 @!p0 $0x108  }
0x21: {  	s3 =	sadd.s32 s3, s9;
	s6 =	sadd.s32 @!p0 $0x88, s6;
	s7 =	simm.s32 @p2 $0x1082  }
0x22: {  	[simem:s7], [sflag:s8] =	dma.local @!p0 [hbm:s6], $0xF7A  }
0x23: {  	s9 =	sor.u32 $0xD0000000, s2;
	s6 =	simm.s32 $0x108;
	_ =	swait.ge @!p0 [sflag:s8], $0x0  }
0x24: {  	s3 =	sadd.s32 $0x88, s3;
	s6 =	simm.s32 @!p1 $0x1082;
	[sflag:s4] =	ssyncset.s32 $0xFFFFF086  }
0x25: {  	[simem:s6], [sflag:s4] =	dma.local [hbm:s3], $0xF7A  }
0x26: {  	[smem:$0x3F9D] =	sst s1;
	(tag) =	ssettag s2;
	_ =	strace s9  }
0x27: {  	s1 =	sld [smem:$0x3FAD]  }
0x28: {  	s2 =	sld [smem:$0x3FAE]  }
0x29: {  	s4 =	sld [smem:$0x3FB0]  }
0x2a: {  	p0 =	seq.s32 s5, $0x0;
	s5 =	sld [smem:$0x3FB1]  }
0x2b: {  	s6 =	sld [smem:$0x3FB2]  }
0x2c: {  	s7 =	sld [smem:$0x3FB3]  }
0x2d: {  	s3 =	simm.s32 $0x108;
	s8 =	sld [smem:$0x3FB4]  }
0x2e: {  	s3 =	simm.s32 @!p0 $0x1082;
	s9 =	sld [smem:$0x3FB5]  }
0x2f: {  	lr =	sadd.s32 s0, s3;
	s0 =	sld [smem:$0x3FAC]  }
0x30: {  	s3 =	sld [smem:$0x3FAF]  }
0x31: {  	[smem:$0x3FB8] =	sst s10  }
0x32: {  	s10 =	sld [smem:$0x3FB6];
	_ =	sdelay $0x3  }
0x33: {  	p0 =	seq.s32 s10, $0x1;
	s10 =	sld [smem:$0x3FB8];
	_ =	sdelay $0x3  }
0x34: {  	[smem:$0x3FB8] =	sst s10  }
0x35: {  	s10 =	sld [smem:$0x3FB7];
	_ =	sdelay $0x3  }
0x36: {  	p1 =	seq.s32 s10, $0x1;
	s10 =	sld [smem:$0x3FB8];
	_ =	sdelay $0x3  }
0x37: {  	[smem:$0x3FB8] =	sst s10  }
0x38: {  	s10 =	sld [smem:$0x3FB9]  }
0x39: {  	_ = 	snop;
	(pc) =	sbr.ind lr, $3  }
0x3a: {  	_ = 	snop  }
0x3b: {  	_ = 	snop  }
0x3c: {  	p2 =	seq.s32 s10, $0x1;
	s10 =	sld [smem:$0x3FB8]  }
0x3d: {  	_ =	shalt  }
0x3e: {  	_ =	shalt  }
0x3f: {  	_ =	shalt  }
0x40: {  	_ =	shalt  }
0x41: {  	_ =	shalt  }
0x42: {  	_ =	shalt  }
0x43: {  	_ =	shalt  }
0x44: {  	_ =	shalt  }
0x45: {  	_ =	shalt  }
0x46: {  	_ =	shalt  }
0x47: {  	_ =	shalt  }
0x48: {  	_ =	shalt  }
0x49: {  	_ =	shalt  }
0x4a: {  	_ =	shalt  }
0x4b: {  	_ =	shalt  }
0x4c: {  	_ =	shalt  }
0x4d: {  	_ =	shalt  }
0x4e: {  	_ =	shalt  }
0x4f: {  	_ =	shalt  }
0x50: {  	_ =	shalt  }
0x51: {  	_ =	shalt  }
0x52: {  	_ =	shalt  }
0x53: {  	_ =	shalt  }
0x54: {  	_ =	shalt  }
0x55: {  	_ =	shalt  }
0x56: {  	_ =	shalt  }
0x57: {  	_ =	shalt  }
0x58: {  	_ =	shalt  }
0x59: {  	_ =	shalt  }
0x5a: {  	_ =	shalt  }
0x5b: {  	_ =	shalt  }
0x5c: {  	_ =	shalt  }
0x5d: {  	_ =	shalt  }
0x5e: {  	_ =	shalt  }
0x5f: {  	_ =	shalt  }
0x60: {  	_ =	shalt  }
0x61: {  	_ =	shalt  }
0x62: {  	_ =	shalt  }
0x63: {  	_ =	shalt  }
0x64: {  	_ =	shalt  }
0x65: {  	_ =	shalt  }
0x66: {  	_ =	shalt  }
0x67: {  	_ =	shalt  }
0x68: {  	_ =	shalt  }
0x69: {  	_ =	shalt  }
0x6a: {  	_ =	shalt  }
0x6b: {  	_ =	shalt  }
0x6c: {  	_ =	shalt  }
0x6d: {  	_ =	shalt  }
0x6e: {  	_ =	shalt  }
0x6f: {  	_ =	shalt  }
0x70: {  	_ =	shalt  }
0x71: {  	_ =	shalt  }
0x72: {  	_ =	shalt  }
0x73: {  	_ =	shalt  }
0x74: {  	_ =	shalt  }
0x75: {  	_ =	shalt  }
0x76: {  	_ =	shalt  }
0x77: {  	_ =	shalt  }
0x78: {  	_ =	shalt  }
0x79: {  	_ =	shalt  }
0x7a: {  	_ =	shalt  }
0x7b: {  	_ =	shalt  }
0x7c: {  	_ =	shalt  }
0x7d: {  	_ =	shalt  }
0x7e: {  	_ =	shalt  }
0x7f: {  	_ =	shalt  }
0x80: {  	_ =	shalt  }
0x81: {  	_ =	shalt  }
0x82: {  	_ =	shalt  }
0x83: {  	_ =	shalt  }
0x84: {  	_ =	shalt  }
0x85: {  	_ =	shalt  }
0x86: {  	_ =	shalt  }
0x87: {  	_ =	shalt  }
.Lfunc_end0:
.L_simem_size_0:
called_computation_lowered:
.L_overlay_start_0:
0x88: {  	s0 =	sld [smem:$0x3FD9]  }
0x89: {  	s1 =	sld [smem:$0x3FFE];
	_ =	sdelay $0x3  }
0x8a: {  	s0 =	sadd.s32 s1, s0  }
0x8b: {  	[smem:$0x3FC4] =	sst s0  }
0x8c: {  	_ = 	snop  }
0x8d: {  	s0 =	sld [smem:$0x3FC9]  }
0x8e: {  	s17 =	sld [smem:$0x3FC8]  }
0x8f: {  	s2 =	sld [smem:$0x3FC7]  }
0x90: {  	s3 =	sld [smem:$0x3FC6]  }
0x91: {  	s4 =	sld [smem:$0x3FD0];
	(tm) =	ssettm $0x1  }
0x92: {  	s5 =	sld [smem:$0x3FFB];
	_ =	sdelay $0x3  }
0x93: {  	_ =	strace s5  }
0x94: {  	s5 =	sld [smem:$0x3FFC];
	_ =	sdelay $0x3  }
0x95: {  	_ =	strace s5  }
0x96: {  	s5 =	sld [smem:$0x3FFD];
	_ =	sdelay $0x3  }
0x97: {  	_ =	strace s5  }
0x98: {  	_ =	strace $0x8FFFFFFF  }
0x99: {  	s18 =	sld [smem:$0x3FDB];
	_ =	sdelay $0x1  }
0x9a: {  	s6 =	simm.s32 $_scs_section_size  }
0x9b: {  	s7 =	simm.s32 $_size__tile_overlayer_lowered;
	s8 =	simm.s32 $_tile_overlayer_lowered  }
0x9c: {  	s21 =	simm.s32 $0x1BFF;
	s20 =	sshll.u32 s8, $0x1;
	s5 =	sadd.s32 s6, s18  }
0x9d: {  	s9 =	simm.s32 $0x0;
	s19 =	sshll.u32 s7, $0x1;
	s7 =	sadd.s32 s20, s5  }
0x9e: {  	[timem:s9], [sflag:s21] =	dma.local [hbm:s7], s19  }
0x9f: {  	_ =	swait.ge [sflag:s21], s19  }
0xa0: {  	s6 =	ssub.s32 $0x0, s19;
	[sflag:s21] =	ssyncset.done $0x0  }
0xa1: {  	[sflag:s21] =	ssyncadd.s32 s6;
	_ =	sdelay $0x1  }
0xa2: {  	s22 =	simm.s32 $0x1B8B  }
0xa3: {  	_ =	swait.ge [sflag:s22], $0x1  }
0xa4: {  	[sflag:s22] =	ssyncset.done $0x0  }
0xa5: {  	s23 =	simm.s32 $0x1B8E;
	[sflag:s22] =	ssyncadd.s32 $0xFFFFFFFF  }
0xa6: {  	s24 =	simm.s32 $execute0_lowered;
	[smem:$0x3FD2] =	sst s23  }
0xa7: {  	s6 =	sshll.u32 s24, $0x1;
	_ =	strace $0x80000046;
	[dreg:$0x1] =	wrdreg $0xFFFFFFFF  }
0xa8: {  	s25 =	simm.s32 $_size_execute0_lowered;
	s5 =	sadd.s32 s5, s6;
	[dreg:$0x0] =	wrdreg $0x0  }
0xa9: {  	s6 =	sshll.u32 s25, $0x1;
	[dreg:$0x2] =	wrdreg s5  }
0xaa: {  	[dreg:$0x3] =	wrdreg s6  }
0xab: {  	[dreg:$0x4] =	wrdreg $0xC0  }
0xac: {  	_ =	task [dreg:s9], $0x5FFFF  }
0xad: {  	[dreg:$0x1] =	wrdreg $0xFFFFFFFF  }
0xae: {  	[dreg:$0x0] =	wrdreg $0x60  }
0xaf: {  	[dreg:$0x2] =	wrdreg s0  }
0xb0: {  	[dreg:$0x3] =	wrdreg s17  }
0xb1: {  	[dreg:$0x4] =	wrdreg s2  }
0xb2: {  	[dreg:$0x5] =	wrdreg s3  }
0xb3: {  	[dreg:$0x6] =	wrdreg s4  }
0xb4: {  	[dreg:$0x7] =	wrdreg $0x32800  }
0xb5: {  	[dreg:$0x8] =	wrdreg $0x9  }
0xb6: {  	_ =	task.clear_ibuf [dreg:s9], $0x9FFFF;
	_ =	strace $0x90000046  }
0xb7: {  	s26 =	simm.s32 $0x9;
	_ =	strace $0x80000048  }
0xb8: {  	_ =	swait.ge [sflag:s26], $0x1  }
0xb9: {  	[sflag:s26] =	ssyncadd.s32 $0xFFFFFFFF  }
0xba: {  	_ =	strace $0x90000048  }
0xbb: {  	_ =	sfence  }
0xbc: {  	s28 =	sld [smem:$0x0];
	_ =	sdelay $0x1  }
0xbd: {  	s29 =	srdreg.scid  }
0xbe: {  	s30 =	sshll.u32 s29, $0xD;
	s31 =	sshrl.u32 s29, $0x2  }
0xbf: {  	s1 =	sand.u32 $0x1, s29;
	s2 =	sand.u32 $0x4000, s30;
	s0 =	sadd.s32 s31, s28  }
0xc0: {  	s1 =	sor.u32 s2, s1;
	s0 =	sshll.u32 s0, $0x11  }
0xc1: {  	s0 =	sor.u32 s0, s1  }
0xc2: {  	s0 =	sadd.s32 $0x8F2B, s0  }
0xc3: {  	[sflag:s0] =	ssyncadd.remote.s32 $0x1  }
0xc4: {  	_ =	sfence.sel $0xFFFF  }
0xc5: {  	[dreg:$0x0] =	wrdreg $0xFFFFFFFF;
	(pc) =	sbr.abs _section_cstart, $3  }
0xc6: {  	[dreg:$0x1] =	wrdreg $0xFFFFFFFF  }
0xc7: {  	_ =	task.clear_ibuf [dreg:s9], $0x2FFFF;
	_ =	strace $0x9FFFFFFF  }
0xc8: {  	(tm) =	ssettm $0x7FFFFFFF  }
0xc9: {  	_ =	shalt  }
tec
execute0_lowered:
.L_overlay_start_1:
0x0: {  	(tag) =	ssettag $0x1  }
0x1: {  	s6 =	rddreg [dreg:$0x0]  }
0x2: {  	s7 =	rddreg [dreg:$0x1]  }
0x3: {  	s3 =	rddreg [dreg:$0x2]  }
0x4: {  	s8 =	rddreg [dreg:$0x3]  }
0x5: {  	s2 =	rddreg [dreg:$0x4]  }
0x6: {  	s0 =	stileid.u32;
	s5 =	rddreg [dreg:$0x5]  }
0x7: {  	s1 =	rddreg [dreg:$0x6];
	s4 =	simm.s32 $0x0;
	s9 =	sshll.u32 s0, $0x6  }
0x8: {  	s17 =	simm.s32 $0x1180;
	[smem:$0x7FF] =	sst s4;
	s9 =	smin.u32 s9, $0x3A8  }
0x9: {  	s11 =	sshll.u32 s0, $0x4;
	_ =	strace $0x80000047;
	s10 =	sshll.u32 s9, $0x4  }
0xa: {  	s16 =	smin.u32 s11, $0xB8;
	s10 =	sadd.s32 s3, s10;
	s3 =	sshrl.u32 s9, $0x3  }
0xb: {  	[tilespmem:s17], [sflag:$0x2] =	stream.linear.gather [hbm4b:s10+s4], $0x2000, $0x38;
	[tilespmem:$0x3300] =	vst v63  }
0xc: {  	s18 =	simm.s32 $0x3180;
	s9 =	sshrl.u32 s16, $0x3;
	s8 =	sadd.s32 s8, s3  }
0xd: {  	[tilespmem:s18], [sflag:$0x3] =	stream.linear.gather [hbm4b:s8+s4], $0x40, $0x38;
	[tilespmem:$0x3300] =	vst v63  }
0xe: {  	s19 =	simm.s32 $0x4;
	s6 =	sadd.s32 s6, s9  }
0xf: {  	[tilespmem:s4], [sflag:$0x4] =	stream.linear.gather [hbm4b:s6+s4], $0x10, $0x38;
	[tilespmem:$0x3300] =	vst v63  }
0x10: {  	_ =	swait.ge [sflag:s19], $0x10  }
0x11: {  	[sflag:s19] =	ssyncset.done $0x0  }
0x12: {  	s20 =	simm.s32 $0x8;
	s21 =	simm.s32 $0x80;
	[sflag:s19] =	ssyncadd.s32 $0xFFFFFFF0  }
0x13: {  	[tilespmem:s21], [sflag:$0x1] =	stream.indirect.gather [hbm4b:s7+s20], $0x80, s4, s20, $0xb8;
	[tilespmem:$0x3300] =	vst v63  }
0x14: {  	s22 =	simm.s32 $0x480;
	s23 =	simm.s32 $0x1  }
0x15: {  	[tilespmem:s22], [sflag:$0x1] =	stream.indirect.gather [hbm4b:s7+s20], $0x80, s20, s20, $0xb8;
	[tilespmem:$0x3300] =	vst v63  }
0x16: {  	_ =	swait.ge [sflag:s23], $0x400  }
0x17: {  	[sflag:s23] =	ssyncset.done $0x0  }
0x18: {  	[sflag:s23] =	ssyncadd.s32 $0xFFFFFC00  }
0x19: {  	v0 =	vld [tilespmem:$0x390];
	_ =	sdelay $0x3  }
0x1a: {  	v3 =	vld [tilespmem:$0x80]  }
0x1b: {  	[tilespmem:$0x1FCE0] =	vst v0;
	v0 =	vld [tilespmem:$0x410]  }
0x1c: {  	v1 =	vld [tilespmem:$0x100]  }
0x1d: {  	v2 =	vld [tilespmem:$0x180]  }
0x1e: {  	v4 =	vld [tilespmem:$0x200]  }
0x1f: {  	v5 =	vld [tilespmem:$0x280]  }
0x20: {  	[tilespmem:$0x1FCF0] =	vst v0;
	v0 =	vld [tilespmem:$0x2C0]  }
0x21: {  	v7 =	vld [tilespmem:$0x300]  }
0x22: {  	v10 =	vld [tilespmem:$0x380]  }
0x23: {  	v13 =	vld [tilespmem:$0x400]  }
0x24: {  	v12 =	vld [tilespmem:$0x90]  }
0x25: {  	[tilespmem:$0x1FD00] =	vst v0;
	v0 =	vld [tilespmem:$0x340]  }
0x26: {  	v9 =	vld [tilespmem:$0x110]  }
0x27: {  	v15 =	vld [tilespmem:$0x190]  }
0x28: {  	v34 =	vld [tilespmem:$0x210]  }
0x29: {  	v39 =	vld [tilespmem:$0x290]  }
0x2a: {  	[tilespmem:$0x1FD10] =	vst v0;
	v0 =	vld [tilespmem:$0x3C0]  }
0x2b: {  	v62 =	vld [tilespmem:$0x310]  }
0x2c: {  	v16 =	vld [tilespmem:$0xA0]  }
0x2d: {  	v17 =	vld [tilespmem:$0x120]  }
0x2e: {  	v18 =	vld [tilespmem:$0x1A0]  }
0x2f: {  	[tilespmem:$0x1FD20] =	vst v0;
	v0 =	vld [tilespmem:$0x440]  }
0x30: {  	v19 =	vld [tilespmem:$0x220]  }
0x31: {  	v20 =	vld [tilespmem:$0x2A0]  }
0x32: {  	v21 =	vld [tilespmem:$0x320]  }
0x33: {  	v37 =	vld [tilespmem:$0x3A0]  }
0x34: {  	[tilespmem:$0x1FD40] =	vst v0;
	v0 =	vld [tilespmem:$0x3D0]  }
0x35: {  	v59 =	vld [tilespmem:$0x420]  }
0x36: {  	v24 =	vld [tilespmem:$0xB0]  }
0x37: {  	v25 =	vld [tilespmem:$0x130]  }
0x38: {  	v26 =	vld [tilespmem:$0x1B0]  }
0x39: {  	[tilespmem:$0x1FD30] =	vst v0;
	v0 =	vld [tilespmem:$0x450]  }
0x3a: {  	v27 =	vld [tilespmem:$0x230]  }
0x3b: {  	v28 =	vld [tilespmem:$0x2B0]  }
0x3c: {  	v29 =	vld [tilespmem:$0x330]  }
0x3d: {  	v30 =	vld [tilespmem:$0x3B0]  }
0x3e: {  	[tilespmem:$0x1FD50] =	vst v0;
	v0 =	vld [tilespmem:$0x270]  }
0x3f: {  	v31 =	vld [tilespmem:$0x430]  }
0x40: {  	v32 =	vld [tilespmem:$0xC0]  }
0x41: {  	v33 =	vld [tilespmem:$0x140]  }
0x42: {  	v35 =	vld [tilespmem:$0x1C0]  }
0x43: {  	[tilespmem:$0x1FD60] =	vst v0;
	v0 =	vld [tilespmem:$0x2F0]  }
0x44: {  	v46 =	vld [tilespmem:$0x240]  }
0x45: {  	v40 =	vld [tilespmem:$0xD0]  }
0x46: {  	v41 =	vld [tilespmem:$0x150]  }
0x47: {  	v42 =	vld [tilespmem:$0x1D0]  }
0x48: {  	[tilespmem:$0x1FD70] =	vst v0;
	v0 =	vld [tilespmem:$0x370]  }
0x49: {  	v43 =	vld [tilespmem:$0x250]  }
0x4a: {  	v44 =	vld [tilespmem:$0x2D0]  }
0x4b: {  	v45 =	vld [tilespmem:$0x350]  }
0x4c: {  	v48 =	vld [tilespmem:$0xE0]  }
0x4d: {  	[tilespmem:$0x1FD80] =	vst v0;
	v0 =	vld [tilespmem:$0x3F0]  }
0x4e: {  	v49 =	vld [tilespmem:$0x160]  }
0x4f: {  	v50 =	vld [tilespmem:$0x1E0]  }
0x50: {  	v51 =	vld [tilespmem:$0x260]  }
0x51: {  	v52 =	vld [tilespmem:$0x2E0]  }
0x52: {  	[tilespmem:$0x1FD90] =	vst v0;
	v0 =	vld [tilespmem:$0x470]  }
0x53: {  	v53 =	vld [tilespmem:$0x360]  }
0x54: {  	v54 =	vld [tilespmem:$0x3E0]  }
0x55: {  	v55 =	vld [tilespmem:$0x460];
	v9 =	vmax.f32 v12, v9  }
0x56: {  	v56 =	vld [tilespmem:$0xF0];
	v12 =	vmax.f32 v16, v17;
	v9 =	vmax.f32 v9, v15;
	v15 =	vmax.f32 v24, v25  }
0x57: {  	v57 =	vld [tilespmem:$0x170];
	v12 =	vmax.f32 v12, v18;
	v15 =	vmax.f32 v15, v26;
	[tilespmem:$0x1FDB0] =	vst v0  }
0x58: {  	v58 =	vld [tilespmem:$0x1F0];
	v12 =	vmax.f32 v12, v19;
	v15 =	vmax.f32 v15, v27;
	_ =	swait.ge [sflag:s23], $0x400  }
0x59: {  	v12 =	vmax.f32 v12, v20;
	v15 =	vmax.f32 v15, v28;
	v20 =	vld [tilespmem:$0x1FCE0]  }
0x5a: {  	v12 =	vmax.f32 v12, v21;
	v15 =	vmax.f32 v15, v29;
	v21 =	vld [tilespmem:$0x1FCF0]  }
0x5b: {  	v15 =	vmax.f32 v15, v30;
	v30 =	vld [tilespmem:$0x1FD00]  }
0x5c: {  	v12 =	vmax.f32 v12, v37;
	v15 =	vmax.f32 v15, v31;
	v31 =	vld [tilespmem:$0x1FD10]  }
0x5d: {  	v12 =	vmax.f32 v12, v59;
	v59 =	vld [tilespmem:$0x1FD20]  }
0x5e: {  	v9 =	vmax.f32 v9, v34;
	v37 =	vld [tilespmem:$0x1FD40]  }
0x5f: {  	v25 =	vmax.f32 v40, v41;
	v9 =	vmax.f32 v9, v39;
	[sflag:s23] =	ssyncset.done $0x0;
	v39 =	vld [tilespmem:$0x1FD50]  }
0x60: {  	v25 =	vmax.f32 v25, v42;
	v42 =	vld [tilespmem:$0x1FDB0];
	[sflag:s23] =	ssyncadd.s32 $0xFFFFFC00  }
0x61: {  	v8 =	vld [tilespmem:$0x480]  }
0x62: {  	v11 =	vld [tilespmem:$0x500]  }
0x63: {  	v22 =	vld [tilespmem:$0x580]  }
0x64: {  	v36 =	vld [tilespmem:$0x600]  }
0x65: {  	v47 =	vld [tilespmem:$0x680]  }
0x66: {  	v0 =	vld [tilespmem:$0x700]  }
0x67: {  	v6 =	vld [tilespmem:$0x510]  }
0x68: {  	v14 =	vld [tilespmem:$0x590]  }
0x69: {  	v23 =	vld [tilespmem:$0x610]  }
0x6a: {  	v38 =	vld [tilespmem:$0x690]  }
0x6b: {  	v60 =	vld [tilespmem:$0x710]  }
0x6c: {  	v61 =	vld [tilespmem:$0x790]  }
0x6d: {  	v63 =	vld [tilespmem:$0x4A0]  }
0x6e: {  	v1 =	vmax.f32 v3, v1;
	v3 =	vld [tilespmem:$0x4B0]  }
0x6f: {  	v1 =	vmax.f32 v1, v2;
	v2 =	vld [tilespmem:$0x530]  }
0x70: {  	v1 =	vmax.f32 v1, v4;
	v4 =	vld [tilespmem:$0x5B0]  }
0x71: {  	v1 =	vmax.f32 v1, v5;
	v5 =	vld [tilespmem:$0x630]  }
0x72: {  	v1 =	vmax.f32 v1, v7;
	v7 =	vld [tilespmem:$0x6B0]  }
0x73: {  	v1 =	vmax.f32 v1, v10;
	v10 =	vld [tilespmem:$0x730]  }
0x74: {  	v1 =	vmax.f32 v1, v13;
	v13 =	vld [tilespmem:$0x7B0]  }
0x75: {  	v16 =	vld [tilespmem:$0x830]  }
0x76: {  	v17 =	vld [tilespmem:$0x4C0]  }
0x77: {  	v18 =	vld [tilespmem:$0x540]  }
0x78: {  	v19 =	vld [tilespmem:$0x5C0]  }
0x79: {  	v26 =	vld [tilespmem:$0x740]  }
0x7a: {  	v28 =	vld [tilespmem:$0x7C0]  }
0x7b: {  	v29 =	vld [tilespmem:$0x840]  }
0x7c: {  	v9 =	vmax.f32 v9, v62;
	v62 =	vld [tilespmem:$0x5D0]  }
0x7d: {  	v40 =	vld [tilespmem:$0x650]  }
0x7e: {  	v24 =	vmax.f32 v32, v33;
	v25 =	vmax.f32 v25, v43;
	[tilespmem:$0x1FDE0] =	vst v61;
	v61 =	vld [tilespmem:$0x810]  }
0x7f: {  	v24 =	vmax.f32 v24, v35;
	v25 =	vmax.f32 v25, v44;
	v44 =	vld [tilespmem:$0x5E0]  }
0x80: {  	v24 =	vmax.f32 v24, v46;
	v9 =	vmax.f32 v9, v20;
	v20 =	vld [tilespmem:$0x640]  }
0x81: {  	v24 =	vmax.f32 v24, v30;
	v30 =	vld [tilespmem:$0x4D0]  }
0x82: {  	v9 =	vmax.f32 v9, v21;
	v21 =	vld [tilespmem:$0x6C0]  }
0x83: {  	[tilespmem:$0x1FDF0] =	vst v61;
	v61 =	vld [tilespmem:$0x520]  }
0x84: {  	v24 =	vmax.f32 v24, v31;
	v31 =	vld [tilespmem:$0x550]  }
0x85: {  	[tilespmem:$0x1FDA0] =	vst v0;
	v0 =	vld [tilespmem:$0x780]  }
0x86: {  	v1 =	vmax.f32 v1, v8;
	v8 =	vld [tilespmem:$0x6D0]  }
0x87: {  	v3 =	vmax.f32 v15, v3;
	v15 =	vld [tilespmem:$0x6E0]  }
0x88: {  	[tilespmem:$0x1FE00] =	vst v61;
	v61 =	vld [tilespmem:$0x5A0]  }
0x89: {  	v1 =	vmax.f32 v1, v11;
	v11 =	vld [tilespmem:$0x1FD60]  }
0x8a: {  	v24 =	vmax.f32 v24, v59;
	v46 =	vld [tilespmem:$0x1FDE0]  }
0x8b: {  	v24 =	vmax.f32 v24, v37;
	v1 =	vmax.f32 v1, v22;
	v22 =	vld [tilespmem:$0x1FD70]  }
0x8c: {  	v2 =	vmax.f32 v3, v2;
	v3 =	vmax.f32 v24, v17;
	v17 =	vld [tilespmem:$0x760]  }
0x8d: {  	[tilespmem:$0x1FE10] =	vst v61;
	v61 =	vld [tilespmem:$0x620]  }
0x8e: {  	v2 =	vmax.f32 v2, v4;
	v4 =	vld [tilespmem:$0x7E0]  }
0x8f: {  	[tilespmem:$0x1FDC0] =	vst v0;
	v0 =	vld [tilespmem:$0x800]  }
0x90: {  	v1 =	vmax.f32 v1, v36;
	v2 =	vmax.f32 v2, v5;
	v5 =	vld [tilespmem:$0x860]  }
0x91: {  	v1 =	vmax.f32 v1, v47;
	v47 =	vld [tilespmem:$0x660]  }
0x92: {  	[tilespmem:$0x1FE20] =	vst v61;
	v61 =	vld [tilespmem:$0x6A0]  }
0x93: {  	v2 =	vmax.f32 v2, v7;
	v7 =	vld [tilespmem:$0x4F0]  }
0x94: {  	[tilespmem:$0x1FDD0] =	vst v0;
	v0 =	vld [tilespmem:$0x490]  }
0x95: {  	v27 =	vmax.f32 v48, v49;
	v49 =	vld [tilespmem:$0x1FE00]  }
0x96: {  	v27 =	vmax.f32 v27, v50;
	v50 =	vld [tilespmem:$0x1FE10]  }
0x97: {  	[tilespmem:$0x1FE30] =	vst v61;
	v61 =	vld [tilespmem:$0x720]  }
0x98: {  	v24 =	vld [tilespmem:$0x1FE20]  }
0x99: {  	v3 =	vmax.f32 v3, v18;
	v18 =	vld [tilespmem:$0x1FE30]  }
0x9a: {  	v12 =	vmax.f32 v12, v63;
	v3 =	vmax.f32 v3, v19;
	v2 =	vmax.f32 v2, v10;
	v10 =	vld [tilespmem:$0x570]  }
0x9b: {  	v3 =	vmax.f32 v3, v20;
	v20 =	vld [tilespmem:$0x6F0];
	v12 =	vmax.f32 v12, v49  }
0x9c: {  	v41 =	vmax.f32 v56, v57;
	v12 =	vmax.f32 v12, v50;
	[tilespmem:$0x1FE40] =	vst v61;
	v61 =	vld [tilespmem:$0x7A0]  }
0x9d: {  	v34 =	vmax.f32 v41, v58;
	v43 =	vld [tilespmem:$0x1FDC0];
	v0 =	vmax.f32 v9, v0;
	v12 =	vmax.f32 v12, v24  }
0x9e: {  	v11 =	vmax.f32 v34, v11;
	v0 =	vmax.f32 v0, v6;
	v12 =	vmax.f32 v12, v18;
	v18 =	vld [tilespmem:$0x1FE40]  }
0x9f: {  	v11 =	vmax.f32 v11, v22;
	v22 =	vld [tilespmem:$0x1FD80];
	v0 =	vmax.f32 v0, v14  }
0xa0: {  	v0 =	vmax.f32 v0, v23;
	v23 =	vld [tilespmem:$0x1FD90]  }
0xa1: {  	[tilespmem:$0x1FE50] =	vst v61;
	v61 =	vld [tilespmem:$0x820]  }
0xa2: {  	v48 =	vld [tilespmem:$0x1FDF0]  }
0xa3: {  	v12 =	vmax.f32 v12, v18;
	v18 =	vld [tilespmem:$0x1FE50]  }
0xa4: {  	v27 =	vmax.f32 v27, v51;
	v2 =	vmax.f32 v2, v13;
	v13 =	vld [tilespmem:$0x5F0];
	v11 =	vmax.f32 v11, v22  }
0xa5: {  	v27 =	vmax.f32 v27, v52;
	v11 =	vmax.f32 v11, v23;
	v23 =	vld [tilespmem:$0x1FDA0]  }
0xa6: {  	v27 =	vmax.f32 v27, v53;
	[tilespmem:$0x1FE60] =	vst v61;
	v61 =	vld [tilespmem:$0x1FD30]  }
0xa7: {  	v25 =	vmax.f32 v25, v45;
	v27 =	vmax.f32 v27, v54;
	v22 =	vld [tilespmem:$0x4E0]  }
0xa8: {  	v27 =	vmax.f32 v27, v55;
	v3 =	vmax.f32 v3, v21;
	v12 =	vmax.f32 v12, v18;
	v18 =	vld [tilespmem:$0x1FE60]  }
0xa9: {  	v3 =	vmax.f32 v3, v26;
	v2 =	vmax.f32 v2, v16;
	v45 =	vld [tilespmem:$0x1FDD0];
	v0 =	vmax.f32 v0, v38  }
0xaa: {  	v3 =	vmax.f32 v3, v28;
	v0 =	vmax.f32 v0, v60;
	v1 =	vmax.f32 v1, v23;
	v23 =	vld [tilespmem:$0x560]  }
0xab: {  	v3 =	vmax.f32 v3, v29;
	v9 =	vld [tilespmem:$0x750];
	v0 =	vmax.f32 v0, v46;
	v25 =	vmax.f32 v25, v61  }
0xac: {  	v6 =	vld [tilespmem:$0x7D0];
	v19 =	vmax.f32 v27, v22;
	v0 =	vmax.f32 v0, v48;
	v25 =	vmax.f32 v25, v39  }
0xad: {  	v11 =	vmax.f32 v11, v42;
	v12 =	vmax.f32 v12, v18;
	v18 =	vld [tilespmem:$0x670];
	v16 =	vmax.f32 v25, v30  }
0xae: {  	v14 =	vld [tilespmem:$0x850];
	v7 =	vmax.f32 v11, v7;
	v1 =	vmax.f32 v1, v43;
	v16 =	vmax.f32 v16, v31  }
0xaf: {  	v11 =	vld [tilespmem:$0x770];
	v1 =	vmax.f32 v1, v45;
	v19 =	vmax.f32 v19, v23;
	v16 =	vmax.f32 v16, v62  }
0xb0: {  	v7 =	vmax.f32 v7, v10;
	v10 =	vld [tilespmem:$0x7F0];
	[tilespmem:$0x880] =	vst v1;
	v1 =	vmax.f32 v16, v40;
	v16 =	vmax.f32 v19, v44  }
0xb1: {  	[tilespmem:$0x890] =	vst v0;
	v7 =	vmax.f32 v7, v13;
	v0 =	vmax.f32 v1, v8;
	v1 =	vmax.f32 v16, v47;
	v8 =	vld [tilespmem:$0x870]  }
0xb2: {  	[tilespmem:$0x8B0] =	vst v2;
	v7 =	vmax.f32 v7, v18;
	v0 =	vmax.f32 v0, v9;
	v1 =	vmax.f32 v1, v15  }
0xb3: {  	[tilespmem:$0x8C0] =	vst v3;
	v2 =	vmax.f32 v7, v20;
	v0 =	vmax.f32 v0, v6;
	v1 =	vmax.f32 v1, v17  }
0xb4: {  	[tilespmem:$0x8A0] =	vst v12;
	v2 =	vmax.f32 v2, v11;
	v0 =	vmax.f32 v0, v14;
	v1 =	vmax.f32 v1, v4  }
0xb5: {  	[tilespmem:$0x8D0] =	vst v0;
	v0 =	vmax.f32 v1, v5;
	v1 =	vmax.f32 v2, v10  }
0xb6: {  	s24 =	sshll.u32 s0, $0x7;
	[tilespmem:$0x8E0] =	vst v0;
	v0 =	vmax.f32 v1, v8  }
0xb7: {  	s25 =	simm.s32 $0x880;
	s7 =	sadd.s32 s24, s5;
	[tilespmem:$0x8F0] =	vst v0  }
0xb8: {  	[spmem:s7] =	stream.linear.scatter [tilespmem:s25], [sflag:$0x4], $0x80, $0x38;
	[tilespmem:$0x3300] =	vst v63  }
0xb9: {  	_ =	swait.ge [sflag:s19], $0x80  }
0xba: {  	[sflag:s19] =	ssyncset.done $0x0  }
0xbb: {  	[sflag:s19] =	ssyncadd.s32 $0xFFFFFF80  }
0xbc: {  	s26 =	simm.s32 $0x900;
	[bflag:$0x0] =	sbarrier.arrive $0xFFFF  }
0xbd: {  	[tilespmem:s26], [sflag:$0x4] =	stream.linear.gather [spmem:s5], $0x800, $0x38;
	[tilespmem:$0x3300] =	vst v63  }
0xbe: {  	_ =	swait.ge [sflag:s19], $0x800  }
0xbf: {  	[sflag:s19] =	ssyncset.done $0x0  }
0xc0: {  	[sflag:s19] =	ssyncadd.s32 $0xFFFFF800  }
0xc1: {  	v2 =	vld [tilespmem:$0x1000];
	_ =	sdelay $0x4  }
0xc2: {  	[tilespmem:$0x1FE70] =	vst v2;
	v2 =	vld [tilespmem:$0x1080];
	_ =	sdelay $0x4  }
0xc3: {  	[tilespmem:$0x1FE80] =	vst v2;
	v2 =	vld [tilespmem:$0xCA0];
	_ =	sdelay $0x3  }
0xc4: {  	v0 =	vld [tilespmem:$0x900]  }
0xc5: {  	[tilespmem:$0x1FE90] =	vst v2;
	v2 =	vld [tilespmem:$0xD20]  }
0xc6: {  	v1 =	vld [tilespmem:$0x980]  }
0xc7: {  	v8 =	vld [tilespmem:$0xA00]  }
0xc8: {  	v11 =	vld [tilespmem:$0xA80]  }
0xc9: {  	v12 =	vld [tilespmem:$0xB00]  }
0xca: {  	[tilespmem:$0x1FEA0] =	vst v2;
	v2 =	vld [tilespmem:$0xDA0]  }
0xcb: {  	v14 =	vld [tilespmem:$0xB80]  }
0xcc: {  	v16 =	vld [tilespmem:$0xC00]  }
0xcd: {  	v17 =	vld [tilespmem:$0xC80]  }
0xce: {  	v19 =	vld [tilespmem:$0xD00]  }
0xcf: {  	[tilespmem:$0x1FEB0] =	vst v2;
	v2 =	vld [tilespmem:$0xE20]  }
0xd0: {  	v39 =	vld [tilespmem:$0xD80]  }
0xd1: {  	v41 =	vld [tilespmem:$0xE00]  }
0xd2: {  	v44 =	vld [tilespmem:$0xE80]  }
0xd3: {  	v47 =	vld [tilespmem:$0xF00]  }
0xd4: {  	[tilespmem:$0x1FEC0] =	vst v2;
	v2 =	vld [tilespmem:$0xEA0]  }
0xd5: {  	v58 =	vld [tilespmem:$0xF80]  }
0xd6: {  	v9 =	vld [tilespmem:$0x910]  }
0xd7: {  	v20 =	vld [tilespmem:$0x990]  }
0xd8: {  	v21 =	vld [tilespmem:$0xA10]  }
0xd9: {  	[tilespmem:$0x1FED0] =	vst v2;
	v2 =	vld [tilespmem:$0xF20]  }
0xda: {  	v22 =	vld [tilespmem:$0xA90]  }
0xdb: {  	v23 =	vld [tilespmem:$0xB10]  }
0xdc: {  	v24 =	vld [tilespmem:$0xB90]  }
0xdd: {  	v25 =	vld [tilespmem:$0xC10]  }
0xde: {  	[tilespmem:$0x1FEF0] =	vst v2;
	v2 =	vld [tilespmem:$0xFA0]  }
0xdf: {  	v26 =	vld [tilespmem:$0xC90]  }
0xe0: {  	v27 =	vld [tilespmem:$0xD10]  }
0xe1: {  	v28 =	vld [tilespmem:$0xD90]  }
0xe2: {  	v29 =	vld [tilespmem:$0xE10]  }
0xe3: {  	[tilespmem:$0x1FF10] =	vst v2;
	v2 =	vld [tilespmem:$0x1020]  }
0xe4: {  	v30 =	vld [tilespmem:$0xE90]  }
0xe5: {  	v31 =	vld [tilespmem:$0xF10]  }
0xe6: {  	v32 =	vld [tilespmem:$0xF90]  }
0xe7: {  	v33 =	vld [tilespmem:$0x1010]  }
0xe8: {  	[tilespmem:$0x1FF30] =	vst v2;
	v2 =	vld [tilespmem:$0x10A0]  }
0xe9: {  	v40 =	vld [tilespmem:$0x1090]  }
0xea: {  	v35 =	vld [tilespmem:$0x920]  }
0xeb: {  	v36 =	vld [tilespmem:$0x9A0]  }
0xec: {  	v37 =	vld [tilespmem:$0xA20]  }
0xed: {  	[tilespmem:$0x1FF50] =	vst v2;
	v2 =	vld [tilespmem:$0xE30]  }
0xee: {  	v38 =	vld [tilespmem:$0xAA0]  }
0xef: {  	v43 =	vld [tilespmem:$0xB20]  }
0xf0: {  	v46 =	vld [tilespmem:$0xBA0]  }
0xf1: {  	v62 =	vld [tilespmem:$0xC20]  }
0xf2: {  	[tilespmem:$0x1FEE0] =	vst v2;
	v2 =	vld [tilespmem:$0xEB0]  }
0xf3: {  	v48 =	vld [tilespmem:$0x930]  }
0xf4: {  	v49 =	vld [tilespmem:$0x9B0]  }
0xf5: {  	v50 =	vld [tilespmem:$0xA30]  }
0xf6: {  	v51 =	vld [tilespmem:$0xAB0]  }
0xf7: {  	[tilespmem:$0x1FF00] =	vst v2;
	v2 =	vld [tilespmem:$0xF30]  }
0xf8: {  	v52 =	vld [tilespmem:$0xB30]  }
0xf9: {  	v53 =	vld [tilespmem:$0xBB0]  }
0xfa: {  	v54 =	vld [tilespmem:$0xC30]  }
0xfb: {  	v55 =	vld [tilespmem:$0xCB0]  }
0xfc: {  	[tilespmem:$0x1FF20] =	vst v2;
	v2 =	vld [tilespmem:$0xFB0]  }
0xfd: {  	v56 =	vld [tilespmem:$0xD30]  }
0xfe: {  	v0 =	vmax.f32 v0, v1;
	v1 =	vld [tilespmem:$0xCD0]  }
0xff: {  	v57 =	vld [tilespmem:$0xDB0]  }
0x100: {  	v3 =	vld [tilespmem:$0x940];
	v0 =	vmax.f32 v0, v8  }
0x101: {  	v0 =	vmax.f32 v0, v11;
	[tilespmem:$0x1FF40] =	vst v2;
	v2 =	vld [tilespmem:$0x1030]  }
0x102: {  	v4 =	vld [tilespmem:$0xA40];
	v0 =	vmax.f32 v0, v12  }
0x103: {  	v5 =	vld [tilespmem:$0xAC0];
	v0 =	vmax.f32 v0, v14;
	[tilespmem:$0x1FFF0] =	vst v1;
	v1 =	vmax.f32 v9, v20  }
0x104: {  	v6 =	vld [tilespmem:$0xB40];
	v0 =	vmax.f32 v0, v16;
	v1 =	vmax.f32 v1, v21  }
0x105: {  	v7 =	vld [tilespmem:$0xBC0];
	v0 =	vmax.f32 v0, v17;
	v1 =	vmax.f32 v1, v22  }
0x106: {  	v0 =	vmax.f32 v0, v19;
	v1 =	vmax.f32 v1, v23;
	[tilespmem:$0x1FF60] =	vst v2;
	v2 =	vld [tilespmem:$0x10B0]  }
0x107: {  	v0 =	vmax.f32 v0, v39;
	v1 =	vmax.f32 v1, v24;
	v24 =	vld [tilespmem:$0x1FE70]  }
0x108: {  	v0 =	vmax.f32 v0, v41;
	v1 =	vmax.f32 v1, v25;
	v25 =	vld [tilespmem:$0x1FE80]  }
0x109: {  	v10 =	vld [tilespmem:$0xC40];
	v0 =	vmax.f32 v0, v44  }
0x10a: {  	v13 =	vld [tilespmem:$0xCC0];
	v0 =	vmax.f32 v0, v47  }
0x10b: {  	v0 =	vmax.f32 v0, v58;
	[tilespmem:$0x1FF70] =	vst v2;
	v2 =	vld [tilespmem:$0x9C0]  }
0x10c: {  	v15 =	vld [tilespmem:$0xD40];
	v0 =	vmax.f32 v0, v24  }
0x10d: {  	v18 =	vld [tilespmem:$0xDC0];
	v1 =	vmax.f32 v1, v26;
	v0 =	vmax.f32 v0, v25;
	v25 =	vmax.f32 v35, v36  }
0x10e: {  	v34 =	vld [tilespmem:$0xE40];
	v1 =	vmax.f32 v1, v27;
	v27 =	vmax.f32 v48, v49;
	v25 =	vmax.f32 v25, v37  }
0x10f: {  	v42 =	vld [tilespmem:$0xEC0];
	v27 =	vmax.f32 v27, v50;
	v25 =	vmax.f32 v25, v38  }
0x110: {  	v45 =	vld [tilespmem:$0xF40];
	v2 =	vmax.f32 v3, v2;
	v3 =	vmax.f32 v25, v43;
	v25 =	vmax.f32 v27, v51  }
0x111: {  	v2 =	vmax.f32 v2, v4;
	v4 =	vmax.f32 v25, v52;
	v25 =	vld [tilespmem:$0x1FE90]  }
0x112: {  	v60 =	vld [tilespmem:$0x1040]  }
0x113: {  	v63 =	vld [tilespmem:$0xA50]  }
0x114: {  	v59 =	vld [tilespmem:$0xFC0];
	v3 =	vmax.f32 v3, v46  }
0x115: {  	v61 =	vld [tilespmem:$0x950];
	v3 =	vmax.f32 v3, v62  }
0x116: {  	v3 =	vmax.f32 v3, v25;
	v25 =	vld [tilespmem:$0x1FEA0]  }
0x117: {  	[tilespmem:$0x1FF80] =	vst v60;
	v60 =	vld [tilespmem:$0x10C0]  }
0x118: {  	[tilespmem:$0x1FFA0] =	vst v63;
	v63 =	vld [tilespmem:$0xAD0]  }
0x119: {  	v8 =	vld [tilespmem:$0xF50]  }
0x11a: {  	v11 =	vld [tilespmem:$0x1050]  }
0x11b: {  	v3 =	vmax.f32 v3, v25;
	v25 =	vld [tilespmem:$0x1FEB0]  }
0x11c: {  	v12 =	vld [tilespmem:$0xFD0]  }
0x11d: {  	v14 =	vld [tilespmem:$0x10D0]  }
0x11e: {  	[tilespmem:$0x1FF90] =	vst v60;
	v60 =	vld [tilespmem:$0x9D0]  }
0x11f: {  	[tilespmem:$0x1FFB0] =	vst v63;
	v63 =	vld [tilespmem:$0xB50]  }
0x120: {  	v3 =	vmax.f32 v3, v25;
	v25 =	vld [tilespmem:$0x1FEC0]  }
0x121: {  	v20 =	vld [tilespmem:$0xD50]  }
0x122: {  	v9 =	vld [tilespmem:$0xED0]  }
0x123: {  	v16 =	vld [tilespmem:$0x960]  }
0x124: {  	v21 =	vld [tilespmem:$0xDD0]  }
0x125: {  	v3 =	vmax.f32 v3, v25;
	v25 =	vld [tilespmem:$0x1FED0]  }
0x126: {  	v17 =	vld [tilespmem:$0x9E0]  }
0x127: {  	v22 =	vld [tilespmem:$0xE50]  }
0x128: {  	v19 =	vld [tilespmem:$0xA60]  }
0x129: {  	v23 =	vld [tilespmem:$0xAE0]  }
0x12a: {  	v4 =	vmax.f32 v4, v53;
	v3 =	vmax.f32 v3, v25;
	v25 =	vld [tilespmem:$0x1FEE0]  }
0x12b: {  	[tilespmem:$0x1FFC0] =	vst v63;
	v63 =	vld [tilespmem:$0xBD0];
	v4 =	vmax.f32 v4, v54  }
0x12c: {  	v26 =	vld [tilespmem:$0xBE0];
	v4 =	vmax.f32 v4, v55  }
0x12d: {  	v16 =	vmax.f32 v16, v17;
	v17 =	vld [tilespmem:$0xBF0];
	v4 =	vmax.f32 v4, v56  }
0x12e: {  	v58 =	vld [tilespmem:$0x1FFB0];
	v1 =	vmax.f32 v1, v28;
	v4 =	vmax.f32 v4, v57  }
0x12f: {  	v1 =	vmax.f32 v1, v29;
	v4 =	vmax.f32 v4, v25;
	v25 =	vld [tilespmem:$0x1FEF0]  }
0x130: {  	v1 =	vmax.f32 v1, v30;
	v30 =	vld [tilespmem:$0x1FF10]  }
0x131: {  	v1 =	vmax.f32 v1, v31;
	v31 =	vld [tilespmem:$0x1FF30]  }
0x132: {  	v28 =	vld [tilespmem:$0xC60]  }
0x133: {  	v24 =	vld [tilespmem:$0xB60]  }
0x134: {  	v3 =	vmax.f32 v3, v25;
	v25 =	vld [tilespmem:$0x1FF00]  }
0x135: {  	v3 =	vmax.f32 v3, v30;
	v30 =	vld [tilespmem:$0x1FF20]  }
0x136: {  	v16 =	vmax.f32 v16, v19;
	v3 =	vmax.f32 v3, v31;
	v31 =	vld [tilespmem:$0x1FF40]  }
0x137: {  	v16 =	vmax.f32 v16, v23;
	v23 =	vld [tilespmem:$0xCF0]  }
0x138: {  	v29 =	vld [tilespmem:$0xCE0]  }
0x139: {  	[tilespmem:$0x1FFD0] =	vst v63;
	v63 =	vld [tilespmem:$0xC50];
	v4 =	vmax.f32 v4, v25  }
0x13a: {  	v16 =	vmax.f32 v16, v24;
	v24 =	vld [tilespmem:$0xD70];
	v4 =	vmax.f32 v4, v30  }
0x13b: {  	v31 =	vmax.f32 v4, v31;
	v4 =	vld [tilespmem:$0x1FF50]  }
0x13c: {  	v16 =	vmax.f32 v16, v26;
	v26 =	vld [tilespmem:$0xDF0]  }
0x13d: {  	v27 =	vld [tilespmem:$0xD60]  }
0x13e: {  	v51 =	vld [tilespmem:$0xA70]  }
0x13f: {  	v52 =	vld [tilespmem:$0x1FF70];
	v2 =	vmax.f32 v2, v5  }
0x140: {  	v2 =	vmax.f32 v2, v6;
	v4 =	vmax.f32 v3, v4;
	v3 =	vld [tilespmem:$0x1FF60]  }
0x141: {  	v5 =	vld [tilespmem:$0xDE0];
	v2 =	vmax.f32 v2, v7  }
0x142: {  	v2 =	vmax.f32 v2, v10;
	v25 =	vld [tilespmem:$0x970]  }
0x143: {  	v2 =	vmax.f32 v2, v13;
	v30 =	vld [tilespmem:$0x9F0]  }
0x144: {  	v53 =	vld [tilespmem:$0x1FF80];
	v2 =	vmax.f32 v2, v15  }
0x145: {  	v2 =	vmax.f32 v2, v18;
	v3 =	vmax.f32 v31, v3;
	v31 =	vld [tilespmem:$0xAF0]  }
0x146: {  	v57 =	vld [tilespmem:$0x1FFA0];
	v2 =	vmax.f32 v2, v34  }
0x147: {  	v6 =	vld [tilespmem:$0xE60];
	v2 =	vmax.f32 v2, v42  }
0x148: {  	v2 =	vmax.f32 v2, v45;
	v19 =	vmax.f32 v25, v30;
	v30 =	vld [tilespmem:$0x1FFC0]  }
0x149: {  	[tilespmem:$0x1FFE0] =	vst v63;
	v2 =	vmax.f32 v2, v59;
	v59 =	vld [tilespmem:$0x1FFD0];
	v19 =	vmax.f32 v19, v51  }
0x14a: {  	v1 =	vmax.f32 v1, v32;
	v54 =	vmax.f32 v61, v60;
	v19 =	vmax.f32 v19, v31;
	v31 =	vld [tilespmem:$0x1FFE0]  }
0x14b: {  	v1 =	vmax.f32 v1, v33;
	v7 =	vld [tilespmem:$0xEE0];
	v33 =	vmax.f32 v54, v57  }
0x14c: {  	v55 =	vld [tilespmem:$0xB70];
	v33 =	vmax.f32 v33, v58  }
0x14d: {  	v10 =	vld [tilespmem:$0xF60];
	v30 =	vmax.f32 v33, v30  }
0x14e: {  	v56 =	vld [tilespmem:$0x1FF90];
	v30 =	vmax.f32 v30, v59  }
0x14f: {  	v30 =	vmax.f32 v30, v31;
	v31 =	vld [tilespmem:$0x1FFF0]  }
0x150: {  	v25 =	vld [tilespmem:$0xC70]  }
0x151: {  	v16 =	vmax.f32 v16, v28;
	v13 =	vld [tilespmem:$0xFE0]  }
0x152: {  	v16 =	vmax.f32 v16, v29;
	v15 =	vld [tilespmem:$0x1060]  }
0x153: {  	v1 =	vmax.f32 v1, v40;
	v16 =	vmax.f32 v16, v27;
	v18 =	vld [tilespmem:$0x10E0];
	v19 =	vmax.f32 v19, v55  }
0x154: {  	v5 =	vmax.f32 v16, v5;
	v17 =	vmax.f32 v19, v17;
	v19 =	vld [tilespmem:$0xE70];
	v30 =	vmax.f32 v30, v31  }
0x155: {  	v5 =	vmax.f32 v5, v6;
	v17 =	vmax.f32 v17, v25;
	v25 =	vld [tilespmem:$0xEF0];
	v20 =	vmax.f32 v30, v20  }
0x156: {  	v5 =	vmax.f32 v5, v7;
	v17 =	vmax.f32 v17, v23;
	v20 =	vmax.f32 v20, v21;
	v21 =	vld [tilespmem:$0xF70]  }
0x157: {  	v5 =	vmax.f32 v5, v10;
	v16 =	vmax.f32 v17, v24;
	v17 =	vld [tilespmem:$0xFF0];
	v20 =	vmax.f32 v20, v22  }
0x158: {  	[tilespmem:$0x1100] =	vst v0;
	v2 =	vmax.f32 v2, v53;
	v6 =	vmax.f32 v16, v26;
	v16 =	vld [tilespmem:$0x1070];
	v9 =	vmax.f32 v20, v9  }
0x159: {  	[tilespmem:$0x1110] =	vst v1;
	v2 =	vmax.f32 v2, v56;
	v6 =	vmax.f32 v6, v19;
	v8 =	vmax.f32 v9, v8;
	v9 =	vld [tilespmem:$0x10F0]  }
0x15a: {  	v5 =	vmax.f32 v5, v13;
	[tilespmem:$0x1140] =	vst v2;
	v6 =	vmax.f32 v6, v25;
	v7 =	vmax.f32 v8, v12  }
0x15b: {  	[tilespmem:$0x1120] =	vst v4;
	v3 =	vmax.f32 v3, v52;
	v7 =	vmax.f32 v7, v11;
	v6 =	vmax.f32 v6, v21  }
0x15c: {  	v5 =	vmax.f32 v5, v15;
	[tilespmem:$0x1130] =	vst v3;
	v8 =	vmax.f32 v7, v14;
	v6 =	vmax.f32 v6, v17  }
0x15d: {  	v7 =	vmax.f32 v5, v18;
	[tilespmem:$0x1150] =	vst v8;
	v5 =	vmax.f32 v6, v16  }
0x15e: {  	[tilespmem:$0x1160] =	vst v7;
	v6 =	vmax.f32 v5, v9  }
0x15f: {  	s28 =	simm.s32 $0x2;
	[tilespmem:$0x1170] =	vst v6  }
0x160: {  	_ =	swait.ge [sflag:s28], $0x2000  }
0x161: {  	[sflag:s28] =	ssyncset.done $0x0  }
0x162: {  	s29 =	simm.s32 $0x3;
	[sflag:s28] =	ssyncadd.s32 $0xFFFFE000  }
0x163: {  	_ =	swait.ge [sflag:s29], $0x40  }
0x164: {  	[sflag:s29] =	ssyncset.done $0x0  }
0x165: {  	s30 =	simm.s32 $0x2180;
	[sflag:s29] =	ssyncadd.s32 $0xFFFFFFC0  }
0x166: {  	v5 =	vld [tilespmem:s30+$0x800]  }
0x167: {  	v11 =	vld [tilespmem:s30+$0x810]  }
0x168: {  	v10 =	vimm.s32 $0x67452301;
	v9 =	vimm.s32 $0xEFCDAB89;
	v13 =	vld [tilespmem:s30+$0xFFFFF000]  }
0x169: {  	v10 =	vunpack.c.l.s4.s8 v10;
	v9 =	vunpack.c.l.s4.s8 v9;
	v12 =	vld [tilespmem:s30+$0x820]  }
0x16a: {  	v15 =	vld [tilespmem:s30+$0xFFFFF010]  }
0x16b: {  	v10 =	vunpack.c.0.s8.s32 v10;
	v24 =	vimm.s32 $0x32107654;
	v9 =	vunpack.c.0.s8.s32 v9;
	v16 =	vld [tilespmem:s30+$0x830]  }
0x16c: {  	v24 =	vunpack.c.l.s4.s8 v24;
	v25 =	vimm.s32 $0xFEDCBA98;
	v17 =	vld [tilespmem:s30+$0xFFFFF800]  }
0x16d: {  	v25 =	vunpack.c.l.s4.s8 v25;
	v18 =	vimm.s32 $0x54761032;
	v9 =	vcombine.low v10, v9;
	v20 =	vld [tilespmem:s30+$0x840]  }
0x16e: {  	v10 =	vimm.s32 $0xDCFE98BA;
	v21 =	vld [tilespmem:s30+$0xFFFFF810];
	v19 =	vmul.f32 v5, v0;
	v11 =	vmul.f32 v11, v1  }
0x16f: {  	v25 =	vunpack.c.0.s8.s32 v25;
	v18 =	vunpack.c.l.s4.s8 v18;
	v10 =	vunpack.c.l.s4.s8 v10;
	v23 =	vld [tilespmem:s30+$0x0]  }
0x170: {  	v22 =	vimm.s32 $0xBA98FEDC;
	v26 =	vld [tilespmem:s30+$0x10];
	v12 =	vmul.f32 v12, v4;
	v11 =	vadd.f32 v11, v19  }
0x171: {  	v22 =	vunpack.c.l.s4.s8 v22;
	v18 =	vunpack.c.0.s8.s32 v18;
	v10 =	vunpack.c.0.s8.s32 v10;
	v19 =	vld [tilespmem:s30+$0x850]  }
0x172: {  	v24 =	vunpack.c.0.s8.s32 v24;
	v27 =	vld [tilespmem:s30+$0xFFFFF020];
	v11 =	vadd.f32 v12, v11;
	v12 =	vmul.f32 v16, v3  }
0x173: {  	v25 =	vand.u32 $0xF, v25;
	v22 =	vunpack.c.0.s8.s32 v22;
	v10 =	vcombine.low v18, v10;
	v16 =	vld [tilespmem:s30+$0x860]  }
0x174: {  	v28 =	vld [tilespmem:s30+$0x20];
	v18 =	vimm.s32 $0x76543210;
	v11 =	vadd.f32 v12, v11;
	v12 =	vmul.f32 v20, v2  }
0x175: {  	v22 =	vcombine.low v24, v22;
	v18 =	vunpack.c.l.s4.s8 v18;
	v13 =	vmul.f32 v13, v0;
	v20 =	vld [tilespmem:s30+$0x870]  }
0x176: {  	v29 =	vld [tilespmem:s30+$0xFFFFF030];
	v15 =	vmul.f32 v15, v1;
	v11 =	vadd.f32 v12, v11;
	v12 =	vmul.f32 v19, v8  }
0x177: {  	v24 =	vld [tilespmem:s30+$0x30];
	v18 =	vunpack.c.0.s8.s32 v18;
	v17 =	vmul.f32 v17, v0;
	v21 =	vmul.f32 v21, v1  }
0x178: {  	v23 =	vmul.f32 v23, v0;
	v19 =	vld [tilespmem:s30+$0xFFFFF820];
	v16 =	vmul.f32 v16, v7;
	v11 =	vadd.f32 v12, v11  }
0x179: {  	v13 =	vadd.f32 v15, v13;
	v15 =	vmul.f32 v26, v1;
	v26 =	vld [tilespmem:s30+$0x40];
	v12 =	vand.u32 $0xF, v10  }
0x17a: {  	v10 =	vcombine.low v25, v18;
	v18 =	vld [tilespmem:s30+$0xFFFFF830];
	v20 =	vmul.f32 v20, v6;
	v16 =	vadd.f32 v16, v11  }
0x17b: {  	v15 =	vadd.f32 v15, v23;
	v23 =	vmul.f32 v28, v4;
	v11 =	vand.u32 $0xF, v22;
	v22 =	vld [tilespmem:s30+$0xFFFFF040]  }
0x17c: {  	v9 =	vand.u32 $0xF, v9;
	v25 =	vmul.f32 v27, v4;
	v16 =	vadd.f32 v20, v16;
	v20 =	vld [tilespmem:s30+$0xFFFFF840]  }
0x17d: {  	v17 =	vadd.f32 v21, v17;
	v15 =	vadd.f32 v23, v15;
	v23 =	vld [tilespmem:s30+$0xFFFFF060];
	v19 =	vmul.f32 v19, v4  }
0x17e: {  	v28 =	vmul.f32 v29, v3;
	v27 =	vld [tilespmem:s30+$0xFFFFF050];
	v13 =	vadd.f32 v25, v13;
	v21 =	vperm.xlane v16, v9  }
0x17f: {  	v25 =	vld [tilespmem:s30+$0xFFFFF850];
	v17 =	vadd.f32 v19, v17;
	v18 =	vmul.f32 v18, v3  }
0x180: {  	v13 =	vadd.f32 v28, v13;
	v19 =	vld [tilespmem:s30+$0x50];
	v22 =	vmul.f32 v22, v2;
	v16 =	vadd.f32 v16, v21  }
0x181: {  	v28 =	vld [tilespmem:s30+$0xFFFFF860];
	v17 =	vadd.f32 v18, v17;
	v21 =	vmul.f32 v24, v3;
	v18 =	vmul.f32 v20, v2  }
0x182: {  	v14 =	vimm.f32 $0.0e+00;
	v20 =	vld [tilespmem:s30+$0x60];
	v13 =	vadd.f32 v22, v13;
	v24 =	vperm.xlane v16, v12  }
0x183: {  	v22 =	vld [tilespmem:s30+$0xFFFFF070];
	v15 =	vadd.f32 v21, v15;
	v21 =	vmul.f32 v26, v2;
	v17 =	vadd.f32 v18, v17  }
0x184: {  	v18 =	vmul.f32 v25, v8;
	v25 =	vld [tilespmem:s30+$0xFFFFF870];
	v16 =	vadd.f32 v16, v24;
	v24 =	vmul.f32 v27, v8  }
0x185: {  	s31 =	simm.s32 $0x2200;
	v23 =	vmul.f32 v23, v7;
	v19 =	vmul.f32 v19, v8;
	v26 =	vld [tilespmem:s30+$0x70];
	v15 =	vadd.f32 v21, v15  }
0x186: {  	v17 =	vadd.f32 v18, v17;
	v18 =	vld [tilespmem:s31+$0x800];
	v21 =	vperm.xlane v16, v11;
	v13 =	vadd.f32 v24, v13  }
0x187: {  	v5 =	vlaneseq.u32;
	v24 =	vmul.f32 v28, v7;
	v15 =	vadd.f32 v19, v15;
	v19 =	vld [tilespmem:s31+$0x810]  }
0x188: {  	v27 =	vld [tilespmem:s31+$0xFFFFF010];
	v20 =	vmul.f32 v20, v7;
	v16 =	vadd.f32 v16, v21;
	v13 =	vadd.f32 v23, v13  }
0x189: {  	v21 =	vmul.f32 v22, v6;
	v17 =	vadd.f32 v24, v17;
	v24 =	vmul.f32 v25, v6;
	v25 =	vld [tilespmem:s31+$0x820]  }
0x18a: {  	v26 =	vmul.f32 v26, v6;
	v22 =	vld [tilespmem:s31+$0xFFFFF000];
	v15 =	vadd.f32 v20, v15;
	v20 =	vmov s4  }
0x18b: {  	vm0 =	veq.s32 v20, v5;
	v23 =	vperm.xlane v16, v10;
	v20 =	vadd.f32 v21, v13;
	v21 =	vld [tilespmem:s31+$0x830]  }
0x18c: {  	v18 =	vmul.f32 v18, v0;
	v15 =	vadd.f32 v26, v15;
	v26 =	vld [tilespmem:s31+$0xFFFFF810];
	v19 =	vmul.f32 v19, v1  }
0x18d: {  	v27 =	vmul.f32 v27, v1;
	v17 =	vadd.f32 v24, v17;
	v16 =	vadd.f32 v16, v23;
	v23 =	vld [tilespmem:s31+$0xFFFFF800]  }
0x18e: {  	v30 =	vld [tilespmem:s31+$0xFFFFF020];
	v24 =	vperm.xlane v20, v9;
	v18 =	vadd.f32 v19, v18;
	v19 =	vmul.f32 v25, v4  }
0x18f: {  	v22 =	vmul.f32 v22, v0;
	v25 =	vperm.xlane v17, v9;
	v13 =	vsel vm0, v16, v14;
	v16 =	vld [tilespmem:s31+$0x840]  }
0x190: {  	v29 =	vld [tilespmem:s31+$0x0];
	v20 =	vadd.f32 v20, v24;
	v24 =	vperm.xlane v15, v9;
	v18 =	vadd.f32 v19, v18  }
0x191: {  	v28 =	vld [tilespmem:s31+$0x850];
	v19 =	vmul.f32 v21, v3;
	v17 =	vadd.f32 v17, v25;
	v21 =	vadd.f32 v27, v22  }
0x192: {  	v25 =	vld [tilespmem:s31+$0x10];
	v15 =	vadd.f32 v15, v24;
	v24 =	vmul.f32 v26, v1;
	v22 =	vmul.f32 v23, v0  }
0x193: {  	v30 =	vmul.f32 v30, v4;
	v23 =	vld [tilespmem:s31+$0x860];
	v18 =	vadd.f32 v19, v18  }
0x194: {  	v19 =	vperm.xlane v20, v12;
	v16 =	vmul.f32 v16, v2;
	v22 =	vadd.f32 v24, v22;
	v24 =	vld [tilespmem:s31+$0xFFFFF820]  }
0x195: {  	v26 =	vld [tilespmem:s31+$0x870];
	v27 =	vperm.xlane v17, v12;
	v21 =	vadd.f32 v30, v21  }
0x196: {  	v30 =	vld [tilespmem:s31+$0xFFFFF060];
	v19 =	vadd.f32 v20, v19;
	v16 =	vadd.f32 v16, v18;
	v18 =	vmul.f32 v28, v8  }
0x197: {  	v20 =	vmul.f32 v29, v0;
	v29 =	vld [tilespmem:s31+$0x20];
	v17 =	vadd.f32 v17, v27;
	v28 =	vperm.xlane v15, v12  }
0x198: {  	v25 =	vmul.f32 v25, v1;
	v16 =	vadd.f32 v18, v16;
	v18 =	vmul.f32 v23, v7;
	v23 =	vld [tilespmem:s31+$0xFFFFF030]  }
0x199: {  	v27 =	vperm.xlane v19, v11;
	v15 =	vadd.f32 v15, v28;
	v28 =	vld [tilespmem:s31+$0xFFFFF830];
	v24 =	vmul.f32 v24, v4  }
0x19a: {  	v60 =	vld [tilespmem:s31+$0xFFFFF040];
	v20 =	vadd.f32 v25, v20;
	v16 =	vadd.f32 v18, v16;
	v18 =	vmul.f32 v26, v6  }
0x19b: {  	v25 =	vld [tilespmem:s31+$0x30];
	v30 =	vmul.f32 v30, v7;
	v26 =	vperm.xlane v17, v11;
	v22 =	vadd.f32 v24, v22  }
0x19c: {  	v31 =	vperm.xlane v15, v11;
	v16 =	vadd.f32 v18, v16;
	v18 =	vadd.f32 v19, v27;
	v27 =	vld [tilespmem:s31+$0xFFFFF840]  }
0x19d: {  	v24 =	vld [tilespmem:s31+$0x40];
	v19 =	vmul.f32 v29, v4;
	v17 =	vadd.f32 v17, v26;
	v23 =	vmul.f32 v23, v3  }
0x19e: {  	vm0 =	vmmov vm0;
	v29 =	vld [tilespmem:s31+$0xFFFFF050];
	v28 =	vmul.f32 v28, v3;
	v26 =	vperm.xlane v16, v9  }
0x19f: {  	v20 =	vadd.f32 v19, v20;
	v19 =	vadd.f32 v15, v31;
	v61 =	vperm.xlane v17, v10;
	v31 =	vld [tilespmem:s31+$0x60]  }
0x1a0: {  	v15 =	vadd.f32 v23, v21;
	v23 =	vmul.f32 v25, v3;
	v16 =	vadd.f32 v16, v26;
	v26 =	vld [tilespmem:s31+$0x50]  }
0x1a1: {  	v21 =	vld [tilespmem:s31+$0xFFFFF850];
	v25 =	vmul.f32 v60, v2;
	v22 =	vadd.f32 v28, v22;
	v27 =	vmul.f32 v27, v2  }
0x1a2: {  	v24 =	vmul.f32 v24, v2;
	v20 =	vadd.f32 v23, v20;
	v23 =	vperm.xlane v16, v12  }
0x1a3: {  	v15 =	vadd.f32 v25, v15;
	v25 =	vld [tilespmem:s31+$0xFFFFF860];
	v29 =	vmul.f32 v29, v8;
	v22 =	vadd.f32 v27, v22  }
0x1a4: {  	v62 =	vld [tilespmem:s31+$0xFFFFF070];
	v28 =	vperm.xlane v18, v10;
	v24 =	vadd.f32 v24, v20;
	v16 =	vadd.f32 v16, v23  }
0x1a5: {  	v27 =	vadd.f32 v29, v15;
	v31 =	vmul.f32 v31, v7;
	v15 =	vmul.f32 v26, v8  }
0x1a6: {  	v20 =	vadd.f32 v18, v28;
	v23 =	vmul.f32 v21, v8;
	v26 =	vld [tilespmem:s31+$0xFFFFF870];
	v29 =	vperm.xlane v16, v11  }
0x1a7: {  	v21 =	vperm.xlane v19, v10;
	v27 =	vadd.f32 v30, v27;
	v28 =	vadd.f32 v15, v24;
	v24 =	vld [tilespmem:s31+$0x70]  }
0x1a8: {  	s5 =	simm.s32 $0x2280;
	v63 =	vadd.f32 v23, v22;
	v18 =	vmul.f32 v25, v7;
	v15 =	vadd.f32 v16, v29  }
0x1a9: {  	v30 =	vmul.f32 v62, v6;
	v23 =	vld [tilespmem:s5+$0x800];
	v22 =	vadd.f32 v17, v61;
	v17 =	vimm.f32 $0.0e+00  }
0x1aa: {  	s6 =	simm.s32 $0x1;
	s7 =	simm.s32 $0x3;
	s4 =	simm.s32 $0x2;
	v25 =	vld [tilespmem:s5+$0x810];
	v29 =	vadd.f32 v18, v63;
	v16 =	vimm.f32 $0.0e+00;
	v18 =	vperm.xlane v15, v10  }
.LBB2_1:
0x1ab: {  	p0 =	sne.s32 s7, $0xF;
	v32 =	vld [tilespmem:s5+$0xFFFFF000];
	v26 =	vmul.f32 v26, v6;
	v28 =	vadd.f32 v31, v28;
	v19 =	vadd.f32 v19, v21  }
0x1ac: {  	v31 =	vmov s6;
	s6 =	smov.u32 s4;
	s4 =	smov.u32 s7;
	v21 =	vld [tilespmem:s5+$0x820];
	v24 =	vmul.f32 v24, v6;
	v15 =	vadd.f32 v15, v18  }
0x1ad: {  	vm1 =	veq.s32 v31, v5;
	v27 =	vadd.f32 v30, v27;
	v18 =	vld [tilespmem:s5+$0xFFFFF010];
	v26 =	vadd.f32 v26, v29  }
0x1ae: {  	v14 =	vsel vm0, v20, v14;
	v29 =	vld [tilespmem:s5+$0x830];
	v24 =	vadd.f32 v24, v28;
	v13 =	vsel vm1, v15, v13  }
0x1af: {  	v17 =	vsel vm0, v22, v17;
	v20 =	vmul.f32 v23, v0;
	v15 =	vld [tilespmem:s5+$0xFFFFF800];
	v23 =	vmul.f32 v25, v1  }
0x1b0: {  	v16 =	vsel vm0, v19, v16;
	v28 =	vperm.xlane v27, v9;
	v22 =	vmul.f32 v32, v0;
	v25 =	vld [tilespmem:s5+$0x840]  }
0x1b1: {  	v19 =	vld [tilespmem:s5+$0xFFFFF810];
	v20 =	vadd.f32 v23, v20;
	v21 =	vmul.f32 v21, v4;
	v23 =	vperm.xlane v26, v9  }
0x1b2: {  	v27 =	vadd.f32 v27, v28;
	v28 =	vperm.xlane v24, v9;
	v18 =	vmul.f32 v18, v1;
	v30 =	vld [tilespmem:s5+$0x850]  }
0x1b3: {  	v31 =	vld [tilespmem:s5+$0x0];
	v20 =	vadd.f32 v21, v20;
	v21 =	vmul.f32 v29, v3;
	v23 =	vadd.f32 v26, v23  }
0x1b4: {  	v24 =	vadd.f32 v24, v28;
	v18 =	vadd.f32 v18, v22;
	v15 =	vmul.f32 v15, v0;
	v22 =	vld [tilespmem:s5+$0x860]  }
0x1b5: {  	v26 =	vld [tilespmem:s5+$0x10];
	v20 =	vadd.f32 v21, v20;
	v21 =	vmul.f32 v25, v2;
	v25 =	vperm.xlane v27, v12  }
0x1b6: {  	vm0 =	vmmov vm1;
	v29 =	vperm.xlane v23, v12;
	v19 =	vmul.f32 v19, v1;
	v28 =	vld [tilespmem:s5+$0x870]  }
0x1b7: {  	v32 =	vld [tilespmem:s5+$0xFFFFF020];
	v20 =	vadd.f32 v21, v20;
	v21 =	vmul.f32 v30, v8;
	v30 =	vperm.xlane v24, v12  }
0x1b8: {  	v25 =	vadd.f32 v27, v25;
	v15 =	vadd.f32 v19, v15;
	v19 =	vld [tilespmem:s5+$0xFFFFF820];
	v31 =	vmul.f32 v31, v0  }
0x1b9: {  	v27 =	vld [tilespmem:s5+$0x20];
	v20 =	vadd.f32 v21, v20;
	v21 =	vmul.f32 v22, v7;
	v22 =	vadd.f32 v23, v29  }
0x1ba: {  	v29 =	vperm.xlane v25, v11;
	v24 =	vadd.f32 v24, v30;
	v23 =	vld [tilespmem:s5+$0xFFFFF030];
	v26 =	vmul.f32 v26, v1  }
0x1bb: {  	v30 =	vld [tilespmem:s5+$0xFFFFF830];
	v20 =	vadd.f32 v21, v20;
	v21 =	vmul.f32 v28, v6;
	v28 =	vperm.xlane v22, v11  }
0x1bc: {  	v33 =	vperm.xlane v24, v11;
	v32 =	vmul.f32 v32, v4;
	v26 =	vadd.f32 v26, v31;
	v31 =	vld [tilespmem:s5+$0x30]  }
0x1bd: {  	v25 =	vadd.f32 v25, v29;
	v34 =	vld [tilespmem:s5+$0xFFFFF040];
	v19 =	vmul.f32 v19, v4;
	v20 =	vadd.f32 v21, v20  }
0x1be: {  	v22 =	vadd.f32 v22, v28;
	v18 =	vadd.f32 v32, v18;
	v21 =	vld [tilespmem:s5+$0xFFFFF840];
	v27 =	vmul.f32 v27, v4  }
0x1bf: {  	v23 =	vmul.f32 v23, v3;
	v15 =	vadd.f32 v19, v15;
	v28 =	vld [tilespmem:s5+$0x40];
	v29 =	vperm.xlane v20, v9  }
0x1c0: {  	v19 =	vadd.f32 v24, v33;
	v32 =	vld [tilespmem:s5+$0xFFFFF050];
	v30 =	vmul.f32 v30, v3;
	v26 =	vadd.f32 v27, v26  }
0x1c1: {  	v18 =	vadd.f32 v23, v18;
	v23 =	vld [tilespmem:s5+$0xFFFFF850];
	v24 =	vmul.f32 v31, v3;
	v20 =	vadd.f32 v20, v29  }
0x1c2: {  	v27 =	vmul.f32 v34, v2;
	v15 =	vadd.f32 v30, v15;
	v29 =	vld [tilespmem:s5+$0x50];
	v30 =	vperm.xlane v25, v10  }
0x1c3: {  	v31 =	vld [tilespmem:s5+$0xFFFFF060];
	v21 =	vmul.f32 v21, v2;
	v24 =	vadd.f32 v24, v26;
	v26 =	vperm.xlane v20, v12  }
0x1c4: {  	v33 =	vperm.xlane v22, v10;
	v18 =	vadd.f32 v27, v18;
	v27 =	vld [tilespmem:s5+$0xFFFFF860];
	v28 =	vmul.f32 v28, v2  }
0x1c5: {  	v32 =	vmul.f32 v32, v8;
	v15 =	vadd.f32 v21, v15;
	v34 =	vld [tilespmem:s5+$0x60];
	v35 =	vadd.f32 v20, v26  }
0x1c6: {  	v21 =	vperm.xlane v19, v10;
	v36 =	vld [tilespmem:s5+$0xFFFFF070];
	v20 =	vmul.f32 v23, v8;
	v23 =	vadd.f32 v28, v24  }
.Ltmp0:
0x1c7: {  	v18 =	vadd.f32 v32, v18;
	v26 =	vld [tilespmem:s5+$0xFFFFF870];
	v28 =	vmul.f32 v29, v8;
	v29 =	vperm.xlane v35, v11;
	(pc) =	sbr.rel @p0 .LBB2_1-.Ltmp0, $4  }
0x1c8: {  	v31 =	vmul.f32 v31, v7;
	v32 =	vadd.f32 v20, v15;
	v24 =	vld [tilespmem:s5+$0x70];
	v20 =	vadd.f32 v25, v30  }
0x1c9: {  	s5 =	sadd.s32 $0x80, s5;
	v37 =	vmul.f32 v27, v7;
	v28 =	vadd.f32 v28, v23;
	v15 =	vadd.f32 v35, v29  }
0x1ca: {  	v22 =	vadd.f32 v22, v33;
	v23 =	vld [tilespmem:s5+$0x800];
	v27 =	vadd.f32 v31, v18;
	v31 =	vmul.f32 v34, v7  }
0x1cb: {  	s7 =	sadd.s32 $0x1, s7;
	v25 =	vld [tilespmem:s5+$0x810];
	v30 =	vmul.f32 v36, v6;
	v29 =	vadd.f32 v37, v32;
	v18 =	vperm.xlane v15, v10  }
0x1cc: {  	v32 =	vld [tilespmem:s5+$0xFFFFF000]  }
0x1cd: {  	v33 =	vld [tilespmem:s5+$0x820]  }
0x1ce: {  	v34 =	vld [tilespmem:s5+$0xFFFFF010]  }
0x1cf: {  	v35 =	vld [tilespmem:s5+$0x830]  }
0x1d0: {  	v36 =	vld [tilespmem:s5+$0xFFFFF800]  }
0x1d1: {  	v37 =	vld [tilespmem:s5+$0x840]  }
0x1d2: {  	v38 =	vld [tilespmem:s5+$0xFFFFF810]  }
0x1d3: {  	v39 =	vld [tilespmem:s5+$0x850]  }
0x1d4: {  	v26 =	vmul.f32 v26, v6;
	v28 =	vadd.f32 v31, v28;
	v21 =	vadd.f32 v19, v21;
	v40 =	vld [tilespmem:s5+$0x0]  }
0x1d5: {  	v41 =	vld [tilespmem:s5+$0x10];
	v19 =	vsel vm0, v20, v14;
	v14 =	vsel vm0, v22, v17;
	v27 =	vadd.f32 v30, v27  }
0x1d6: {  	v17 =	vld [tilespmem:s5+$0x870];
	v24 =	vmul.f32 v24, v6;
	v26 =	vadd.f32 v26, v29;
	v23 =	vmul.f32 v23, v0  }
0x1d7: {  	v45 =	vld [tilespmem:s5+$0xFFFFF020];
	v46 =	vperm.xlane v27, v9;
	v25 =	vmul.f32 v25, v1  }
0x1d8: {  	v48 =	vld [tilespmem:s5+$0xFFFFF820];
	v24 =	vadd.f32 v24, v28;
	v47 =	vperm.xlane v26, v9;
	v42 =	vmul.f32 v32, v0  }
0x1d9: {  	v55 =	vld [tilespmem:s5+$0xFFFFF830];
	v44 =	vmul.f32 v33, v4;
	v49 =	vmul.f32 v34, v1  }
0x1da: {  	v63 =	vmov s6;
	v53 =	vld [tilespmem:s5+$0xFFFFF030];
	v50 =	vmul.f32 v35, v3;
	v52 =	vperm.xlane v24, v9  }
0x1db: {  	vm1 =	veq.s32 v63, v5;
	v30 =	vld [tilespmem:s5+$0x860];
	v54 =	vmul.f32 v37, v2;
	v56 =	vmul.f32 v36, v0  }
0x1dc: {  	v61 =	vld [tilespmem:s5+$0xFFFFF040];
	v16 =	vsel vm0, v21, v16;
	v57 =	vmul.f32 v38, v1;
	v62 =	vmul.f32 v39, v8  }
0x1dd: {  	vm14 =	vmmov vm1;
	v63 =	vmul.f32 v40, v0;
	v40 =	vmul.f32 v41, v1  }
0x1de: {  	v58 =	vld [tilespmem:s5+$0x30];
	v27 =	vadd.f32 v27, v46;
	v32 =	vmul.f32 v48, v4;
	v48 =	vmul.f32 v55, v3  }
0x1df: {  	v51 =	vld [tilespmem:s5+$0x20];
	v17 =	vmul.f32 v17, v6;
	v43 =	vadd.f32 v25, v23;
	v25 =	vmul.f32 v45, v4  }
0x1e0: {  	v39 =	vld [tilespmem:s5+$0xFFFFF840];
	v21 =	vadd.f32 v26, v47;
	v46 =	vmul.f32 v30, v7;
	v26 =	vmul.f32 v53, v3  }
0x1e1: {  	v45 =	vld [tilespmem:s5+$0xFFFFF850];
	v23 =	vmul.f32 v61, v2;
	v20 =	vadd.f32 v49, v42;
	v24 =	vadd.f32 v24, v52  }
0x1e2: {  	v47 =	vld [tilespmem:s5+$0x50];
	v59 =	vperm.xlane v27, v12;
	v28 =	vadd.f32 v57, v56;
	v0 =	vadd.f32 v40, v63  }
0x1e3: {  	v53 =	vld [tilespmem:s5+$0x60];
	v49 =	vmul.f32 v58, v3;
	v22 =	vadd.f32 v44, v43;
	v60 =	vperm.xlane v21, v12  }
0x1e4: {  	v42 =	vld [tilespmem:s5+$0xFFFFF050];
	v44 =	vmul.f32 v51, v4;
	v27 =	vadd.f32 v27, v59;
	v43 =	vadd.f32 v25, v20  }
0x1e5: {  	v41 =	vld [tilespmem:s5+$0x40];
	v28 =	vadd.f32 v32, v28;
	v56 =	vperm.xlane v24, v12;
	v22 =	vadd.f32 v50, v22  }
0x1e6: {  	v21 =	vadd.f32 v21, v60;
	v0 =	vadd.f32 v44, v0;
	v50 =	vld [tilespmem:s5+$0xFFFFF060];
	v52 =	vmul.f32 v39, v2  }
0x1e7: {  	v51 =	vld [tilespmem:s5+$0xFFFFF860];
	v1 =	vadd.f32 v26, v43;
	v20 =	vmul.f32 v45, v8;
	v59 =	vmul.f32 v47, v8  }
0x1e8: {  	v55 =	vld [tilespmem:s5+$0xFFFFF070];
	v4 =	vadd.f32 v48, v28;
	v63 =	vmul.f32 v53, v7;
	v31 =	vperm.xlane v27, v11  }
0x1e9: {  	v58 =	vld [tilespmem:s5+$0xFFFFF870];
	v22 =	vadd.f32 v54, v22;
	v57 =	vmul.f32 v42, v8;
	v1 =	vadd.f32 v23, v1  }
0x1ea: {  	v0 =	vadd.f32 v49, v0;
	v54 =	vmul.f32 v41, v2;
	v4 =	vadd.f32 v52, v4  }
0x1eb: {  	v60 =	vld [tilespmem:s5+$0x70];
	v22 =	vadd.f32 v62, v22;
	v1 =	vadd.f32 v57, v1;
	v61 =	vmul.f32 v50, v7  }
0x1ec: {  	v0 =	vadd.f32 v54, v0;
	v62 =	vmul.f32 v51, v7;
	v4 =	vadd.f32 v20, v4  }
0x1ed: {  	v33 =	vadd.f32 v24, v56;
	v23 =	vmul.f32 v55, v6;
	v1 =	vadd.f32 v61, v1  }
0x1ee: {  	v29 =	vmul.f32 v58, v6;
	v0 =	vadd.f32 v59, v0;
	v4 =	vadd.f32 v62, v4  }
0x1ef: {  	v35 =	vperm.xlane v21, v11;
	v22 =	vadd.f32 v46, v22;
	v1 =	vadd.f32 v23, v1  }
0x1f0: {  	v30 =	vmul.f32 v60, v6;
	v0 =	vadd.f32 v63, v0;
	v4 =	vadd.f32 v29, v4  }
0x1f1: {  	v37 =	vperm.xlane v33, v11;
	v25 =	vadd.f32 v17, v22;
	v34 =	vperm.xlane v1, v9  }
0x1f2: {  	v3 =	vadd.f32 v27, v31;
	v0 =	vadd.f32 v30, v0;
	v36 =	vperm.xlane v4, v9  }
0x1f3: {  	v52 =	vmov s4;
	v32 =	vperm.xlane v25, v9;
	v1 =	vadd.f32 v1, v34  }
0x1f4: {  	v40 =	vadd.f32 v21, v35;
	v38 =	vperm.xlane v0, v9;
	v4 =	vadd.f32 v4, v36  }
0x1f5: {  	vm2 =	veq.s32 v52, v5;
	v6 =	vadd.f32 v25, v32;
	v41 =	vperm.xlane v1, v12  }
0x1f6: {  	v8 =	vadd.f32 v33, v37;
	v0 =	vadd.f32 v0, v38;
	v42 =	vperm.xlane v4, v12  }
0x1f7: {  	v43 =	vperm.xlane v3, v10;
	v39 =	vperm.xlane v6, v12;
	v1 =	vadd.f32 v1, v41  }
0x1f8: {  	vm15 =	vmmov vm2;
	v44 =	vperm.xlane v0, v12;
	v4 =	vadd.f32 v4, v42  }
0x1f9: {  	v60 =	vadd.f32 v15, v18;
	v6 =	vadd.f32 v6, v39;
	v48 =	vperm.xlane v1, v11  }
0x1fa: {  	v45 =	vperm.xlane v40, v10;
	v0 =	vadd.f32 v0, v44;
	v49 =	vperm.xlane v4, v11  }
0x1fb: {  	v47 =	vperm.xlane v8, v10;
	v46 =	vperm.xlane v6, v11;
	v1 =	vadd.f32 v1, v48  }
0x1fc: {  	v3 =	vadd.f32 v3, v43;
	v50 =	vperm.xlane v0, v11;
	v4 =	vadd.f32 v4, v49  }
0x1fd: {  	v54 =	vld [tilespmem:$0x3180];
	v62 =	vsel vm1, v60, v13;
	v6 =	vadd.f32 v6, v46;
	v53 =	vperm.xlane v1, v10  }
0x1fe: {  	v56 =	vld [tilespmem:$0x3190];
	v2 =	vadd.f32 v40, v45;
	v0 =	vadd.f32 v0, v50;
	v55 =	vperm.xlane v4, v10  }
0x1ff: {  	v59 =	vld [tilespmem:$0x31B0];
	v8 =	vadd.f32 v8, v47;
	v51 =	vperm.xlane v6, v10;
	v1 =	vadd.f32 v1, v53  }
0x200: {  	v58 =	vld [tilespmem:$0x31A0];
	v3 =	vsel vm14, v3, v19;
	v57 =	vperm.xlane v0, v10;
	v4 =	vadd.f32 v4, v55  }
0x201: {  	v2 =	vsel vm14, v2, v14;
	v61 =	vadd.f32 v6, v51;
	v1 =	vsel vm15, v1, v3  }
0x202: {  	v0 =	vadd.f32 v0, v57;
	v2 =	vsel vm15, v4, v2;
	v1 =	vadd.f32 v54, v1  }
0x203: {  	v8 =	vsel vm14, v8, v16;
	v3 =	vsel vm2, v61, v62;
	v2 =	vadd.f32 v56, v2  }
0x204: {  	v0 =	vsel vm15, v0, v8;
	v63 =	vadd.f32 v59, v3;
	[tilespmem:$0x3200] =	vst v1  }
0x205: {  	v0 =	vadd.f32 v58, v0;
	[tilespmem:$0x3210] =	vst v2  }
0x206: {  	s2 =	sadd.s32 s2, s3;
	[tilespmem:$0x3230] =	vst v63  }
0x207: {  	s29 =	simm.s32 $0x0;
	s30 =	simm.s32 $0x3200;
	s31 =	simm.s32 $0x4;
	[tilespmem:$0x3220] =	vst v0  }
0x208: {  	[hbm4b:s2+s29] =	stream.linear.scatter [tilespmem:s30], [sflag:$0x4], $0x40, $0x38;
	[tilespmem:$0x3300] =	vst v63  }
0x209: {  	_ =	swait.ge [sflag:s31], $0x40  }
0x20a: {  	[sflag:s31] =	ssyncset.done $0x0  }
0x20b: {  	[sflag:s31] =	ssyncadd.s32 $0xFFFFFFC0  }
0x20c: {  	_ =	sfence.sel $0x180000  }
0x20d: {  	[bflag:$0x0] =	sbarrier.arrive $0xFFFF  }
0x20e: {  	p0 =	sne.s32 s0, $0x0;
	_ =	strace $0x90000047  }
0x20f: {  	s0 =	sadd.s32 @!p0 $0x100000, s1;
	[bflag:$0x2] =	sbarrier.arrive $0xFFFF  }
0x210: {  	[sflag:s0] =	ssyncadd.tile.s32 @!p0 $0x1;
	_ =	shalt  }
.Lfunc_end2:
_tile_overlayer_lowered:
.L_overlay_start_2:
0x211: {  	(tag) =	ssettag $0x2  }
0x212: {  	s0 =	rddreg [dreg:$0x0];
	s2 =	stileid.u32  }
0x213: {  	s1 =	rddreg [dreg:$0x1];
	p0 =	sne.s32 s2, $0x0  }
0x214: {  	s3 =	rddreg [dreg:$0x2];
	[bflag:$0x3] =	sbarrier.arrive $0xFFFF;
	s2 =	simm.s32 @!p0 $0x1C04  }
0x215: {  	[timem:s3], [sflag:s2] =	dma.local @!p0 [hbm:s0], s1  }
0x216: {  	s0 =	simm.s32 @!p0 $0x4  }
0x217: {  	_ =	swait.ge @!p0 [sflag:s0], s1  }
0x218: {  	s1 =	ssub.s32 @!p0 $0x0, s1;
	[sflag:s0] =	ssyncset.done @!p0 $0x0  }
0x219: {  	[sflag:s0] =	ssyncadd.s32 @!p0 s1  }
0x21a: {  	[bflag:$0x3] =	sbarrier.arrive $0xFFFF  }
0x21b: {  	_ =	shalt  }

</sc_bundles>
